<compile_context>
chip_gen: v7x
topology: tpu7x:2x2x1
jax: 0.10.2.dev20260603
libtpu: 0.0.44.dev20260713+nightly
codegen_flags: <defaults>
</compile_context>

<pallas_src>
import functools

import jax
import jax.numpy as jnp
from jax import lax
from jax.experimental import pallas as pl
from jax.experimental.pallas import tpu as pltpu
from jax.experimental.pallas import tpu_sc as plsc

N_NODES = 10000
N_EDGES = 320000
D = 128

NC = 2
NS = 16
NW = NC * NS
EW = N_EDGES // NW
C = 80
EWP = -(-EW // C) * C
NCHUNK = EWP // C
ACC_ROWS = 10016
DUMMY = 10008
ROWS_PT = 624
TAIL_BASE = NS * ROWS_PT
TAIL_Z = ACC_ROWS - TAIL_BASE
TAIL_WB = N_NODES - TAIL_BASE
ZR = 104
ZC = 2504
WBC = 2000


def _sc_scatter_mean(x, eidx):
    mesh = plsc.VectorSubcoreMesh(core_axis_name="c", subcore_axis_name="s")

    @functools.partial(
        pl.kernel,
        out_type=[
            jax.ShapeDtypeStruct((NC * N_NODES, D), jnp.float32),
            jax.ShapeDtypeStruct((NC * N_NODES,), jnp.float32),
        ],
        mesh=mesh,
        scratch_types=[
            pltpu.VMEM_SHARED((ACC_ROWS, D), jnp.float32),
            pltpu.VMEM_SHARED((ACC_ROWS,), jnp.float32),
            pltpu.VMEM((ZR, D), jnp.float32),
            pltpu.VMEM((C, D), jnp.float32),
            pltpu.VMEM((C, D), jnp.float32),
            pltpu.VMEM((C,), jnp.int32),
            pltpu.VMEM((C,), jnp.int32),
            pltpu.VMEM((C,), jnp.int32),
            pltpu.VMEM((C,), jnp.int32),
            pltpu.VMEM((C,), jnp.float32),
            pltpu.VMEM((ZC,), jnp.float32),
            pltpu.SemaphoreType.DMA,
            pltpu.SemaphoreType.DMA,
            pltpu.SemaphoreType.DMA,
            pltpu.SemaphoreType.DMA,
            pltpu.SemaphoreType.DMA,
        ],
    )
    def k(x_hbm, e_hbm, part_hbm, cnt_hbm,
          acc, cnt, zrows, rows0, rows1, is0, id0, is1, id1, ones, zvec,
          sem_i0, sem_i1, sem0, sem1, sem_z):
        cid = lax.axis_index("c")
        sid = lax.axis_index("s")
        wid = sid * NC + cid

        zero16 = jnp.zeros((16,), jnp.float32)
        one16 = jnp.full((16,), 1.0, jnp.float32)

        def idx_start(j, isb, idb, sem):
            pltpu.async_copy(e_hbm.at[0, wid, j], isb, sem)
            pltpu.async_copy(e_hbm.at[1, wid, j], idb, sem)

        def idx_wait(j, isb, idb, sem):
            pltpu.make_async_copy(e_hbm.at[0, wid, j], isb, sem).wait()
            pltpu.make_async_copy(e_hbm.at[1, wid, j], idb, sem).wait()

        idx_start(0, is0, id0, sem_i0)
        idx_start(1, is1, id1, sem_i1)

        @pl.loop(0, ZR)
        def _(r):
            @pl.loop(0, D, step=16)
            def _(j):
                zrows[r, pl.ds(j, 16)] = zero16

        @pl.loop(0, C, step=16)
        def _(j):
            ones[pl.ds(j, 16)] = one16

        base_r = sid * ROWS_PT

        @pl.loop(0, ROWS_PT, step=ZR)
        def _(r):
            pltpu.async_copy(zrows, acc.at[pl.ds(base_r + r, ZR)], sem_z)

        @pl.when(sid == NS - 1)
        def _():
            pltpu.async_copy(zrows.at[pl.ds(0, TAIL_Z)],
                             acc.at[pl.ds(TAIL_BASE, TAIL_Z)], sem_z)

        @pl.when(sid == 0)
        def _():
            @pl.loop(0, ZC, step=16)
            def _(j):
                zvec[pl.ds(j, 16)] = zero16

            @pl.loop(0, ACC_ROWS, step=ZC)
            def _(j):
                pltpu.async_copy(zvec, cnt.at[pl.ds(j, ZC)], sem_z)

            @pl.loop(0, ACC_ROWS, step=ZC)
            def _(j):
                pltpu.make_async_copy(zvec, cnt.at[pl.ds(j, ZC)], sem_z).wait()

        idx_wait(0, is0, id0, sem_i0)
        pltpu.async_copy(x_hbm.at[is0], rows0, sem0)

        @pl.loop(0, ROWS_PT, step=ZR)
        def _(r):
            pltpu.make_async_copy(zrows, acc.at[pl.ds(base_r + r, ZR)], sem_z).wait()

        @pl.when(sid == NS - 1)
        def _():
            pltpu.make_async_copy(zrows.at[pl.ds(0, TAIL_Z)],
                                  acc.at[pl.ds(TAIL_BASE, TAIL_Z)], sem_z).wait()

        plsc.subcore_barrier()

        @pl.loop(0, NCHUNK - 1, step=2)
        def _(i):
            idx_wait(i + 1, is1, id1, sem_i1)
            pltpu.async_copy(x_hbm.at[is1], rows1, sem1)
            pltpu.make_async_copy(x_hbm.at[pl.ds(0, C)], rows0, sem0).wait()
            pltpu.sync_copy(rows0, acc.at[id0], add=True)
            pltpu.sync_copy(ones, cnt.at[id0], add=True)
            idx_start(i + 2, is0, id0, sem_i0)
            idx_wait(i + 2, is0, id0, sem_i0)
            pltpu.async_copy(x_hbm.at[is0], rows0, sem0)
            pltpu.make_async_copy(x_hbm.at[pl.ds(0, C)], rows1, sem1).wait()
            pltpu.sync_copy(rows1, acc.at[id1], add=True)
            pltpu.sync_copy(ones, cnt.at[id1], add=True)
            @pl.when(i + 3 < NCHUNK)
            def _():
                idx_start(i + 3, is1, id1, sem_i1)

        pltpu.make_async_copy(x_hbm.at[pl.ds(0, C)], rows0, sem0).wait()
        pltpu.sync_copy(rows0, acc.at[id0], add=True)
        pltpu.sync_copy(ones, cnt.at[id0], add=True)

        plsc.subcore_barrier()

        obase = cid * N_NODES
        pltpu.sync_copy(acc.at[pl.ds(base_r, ROWS_PT)],
                        part_hbm.at[pl.ds(obase + base_r, ROWS_PT)])

        @pl.when(sid == NS - 1)
        def _():
            pltpu.sync_copy(acc.at[pl.ds(TAIL_BASE, TAIL_WB)],
                            part_hbm.at[pl.ds(obase + TAIL_BASE, TAIL_WB)])

        @pl.when(sid == 0)
        def _():
            @pl.loop(0, N_NODES, step=WBC)
            def _(j):
                pltpu.sync_copy(cnt.at[pl.ds(j, WBC)], zvec.at[pl.ds(0, WBC)])
                pltpu.sync_copy(zvec.at[pl.ds(0, WBC)],
                                cnt_hbm.at[pl.ds(obase + j, WBC)])

    return k(x, eidx)


BN = 1000


def _tc_combine(part, cnt3, W, b2):
    def body(p_ref, c_ref, w_ref, b_ref, o_ref):
        acc = p_ref[0] + p_ref[1]
        c = c_ref[0] + c_ref[1]
        scale = 1.0 / jnp.maximum(c, 1.0)
        ind = jnp.minimum(c, 1.0)
        y = lax.dot_general(acc * scale, w_ref[...],
                            (((1,), (1,)), ((), ())),
                            preferred_element_type=jnp.float32)
        o_ref[...] = y + b_ref[...] * ind

    return pl.pallas_call(
        body,
        grid=(N_NODES // BN,),
        in_specs=[
            pl.BlockSpec((NC, BN, D), lambda i: (0, i, 0)),
            pl.BlockSpec((NC, BN, 1), lambda i: (0, i, 0)),
            pl.BlockSpec((D, D), lambda i: (0, 0)),
            pl.BlockSpec((1, D), lambda i: (0, 0)),
        ],
        out_specs=pl.BlockSpec((BN, D), lambda i: (i, 0)),
        out_shape=jax.ShapeDtypeStruct((N_NODES, D), jnp.float32),
    )(part, cnt3, W, b2)


def kernel(x, edge_index, W, b):
    if EWP == EW:
        eidx = edge_index.reshape(2, NW, NCHUNK, C)
    else:
        srcp = jnp.pad(edge_index[0].reshape(NW, EW), ((0, 0), (0, EWP - EW)))
        dstp = jnp.pad(edge_index[1].reshape(NW, EW), ((0, 0), (0, EWP - EW)),
                       constant_values=DUMMY)
        trash = (N_NODES
                 + (jnp.arange(NW, dtype=jnp.int32) % (ACC_ROWS - N_NODES)))
        dstp = jnp.where(jnp.arange(EWP)[None, :] < EW, dstp, trash[:, None])
        eidx = jnp.stack([srcp, dstp], axis=0).reshape(2, NW, NCHUNK, C)
    part, cnt = _sc_scatter_mean(x, eidx)
    part = part.reshape(NC, N_NODES, D)
    cnt3 = cnt.reshape(NC, N_NODES, 1)
    return _tc_combine(part, cnt3, W, b.reshape(1, D))

# --- scband reference (transcript-rebuilt; emitter-appended) ---
"""Pipeline reference for scband-sageconv-18141941859016 (READ-ONLY COPY).

The authoritative reference and input builder live on the scoring server;
editing this copy changes nothing except your own understanding.
"""

import jax, jax.numpy as jnp
import numpy as np

N_NODES = 10000
N_EDGES = 320000
D_IN = 128
D_OUT = 128


def setup_inputs(seed: int = 0) -> dict:
    key = jax.random.key(seed)
    k1, k2, k3, k4 = jax.random.split(key, 4)
    x = jax.random.normal(k1, (N_NODES, D_IN), dtype=jnp.float32)
    edge_index = jax.random.randint(k2, (2, N_EDGES), 0, N_NODES, dtype=jnp.int32)
    # Linear layer parameters (torch nn.Linear: out = x @ W.T + b)
    bound = 1.0 / np.sqrt(D_IN)
    W = jax.random.uniform(k3, (D_OUT, D_IN), minval=-bound, maxval=bound, dtype=jnp.float32)
    b = jax.random.uniform(k4, (D_OUT,), minval=-bound, maxval=bound, dtype=jnp.float32)
    return {"x": x, "edge_index": edge_index, "W": W, "b": b}


def reference(x, edge_index, W, b):
    # Linear transform
    out = x @ W.T + b
    src = edge_index[0]
    dst = edge_index[1]
    # Gather source node features (SparseCore gather)
    src_feat = jnp.take(out, src, axis=0)
    # Scatter-mean into destination nodes (SparseCore scatter-add + count)
    summed = jax.ops.segment_sum(src_feat, dst, num_segments=N_NODES)
    counts = jax.ops.segment_sum(jnp.ones((N_EDGES,), dtype=jnp.float32), dst, num_segments=N_NODES)
    out = summed / jnp.clip(counts, 1.0, None)[:, None]
    # normalize=False, so no L2 normalization
    return out

if __name__ == "__main__":
    import jax
    _d = setup_inputs()
    print(jax.jit(kernel)(*tuple(_d.values())))

</pallas_src>

<mosaic_0001>
#map = affine_map<(d0, d1) -> (0, 0)>
#map1 = affine_map<(d0, d1) -> (0, 0, 0, 0)>
#map2 = affine_map<(d0, d1) -> (0)>
module attributes {stable_mosaic.version = 14 : i64} {
  func.func @k(%arg0: i32, %arg1: i32, %arg2: memref<10000x128xf32, #tpu.memory_space<hbm>>, %arg3: memref<2x32x125x80xi32, #tpu.memory_space<hbm>>, %arg4: memref<20000x128xf32, #tpu.memory_space<hbm>>, %arg5: memref<20000xf32, #tpu.memory_space<hbm>>, %arg6: memref<10016x128xf32, #tpu.memory_space<vmem_shared>>, %arg7: memref<10016xf32, #tpu.memory_space<vmem_shared>>, %arg8: memref<104x128xf32, #tpu.memory_space<vmem>>, %arg9: memref<80x128xf32, #tpu.memory_space<vmem>>, %arg10: memref<80x128xf32, #tpu.memory_space<vmem>>, %arg11: memref<80xi32, #tpu.memory_space<vmem>>, %arg12: memref<80xi32, #tpu.memory_space<vmem>>, %arg13: memref<80xi32, #tpu.memory_space<vmem>>, %arg14: memref<80xi32, #tpu.memory_space<vmem>>, %arg15: memref<80xf32, #tpu.memory_space<vmem>>, %arg16: memref<2504xf32, #tpu.memory_space<vmem>>, %arg17: memref<!tpu.dma_semaphore, #tpu.memory_space<semaphore_mem>>, %arg18: memref<!tpu.dma_semaphore, #tpu.memory_space<semaphore_mem>>, %arg19: memref<!tpu.dma_semaphore, #tpu.memory_space<semaphore_mem>>, %arg20: memref<!tpu.dma_semaphore, #tpu.memory_space<semaphore_mem>>, %arg21: memref<!tpu.dma_semaphore, #tpu.memory_space<semaphore_mem>>) attributes {dimension_semantics = [#tpu.dimension_semantics<core_parallel>, #tpu.dimension_semantics<subcore_parallel>], iteration_bounds = array<i64: 2, 16>, scalar_prefetch = 0 : i64, scratch_operands = 16 : i64, tpu.core_type = #tpu.core_type<sc_vector_subcore>, window_params = [{transform_indices = #map}, {transform_indices = #map1}, {transform_indices = #map}, {transform_indices = #map2}]} {
    %mul3A = arith.constant 2 : i32
    %mul3A_0 = arith.muli %arg1, %mul3A : i32
    %add3A = arith.addi %mul3A_0, %arg0 : i32
    %broadcast_in_dim3A = arith.constant 0.000000e+00 : f32
    %broadcast_in_dim3A_1 = vector.broadcast %broadcast_in_dim3A : f32 to vector<16xf32>
    %broadcast_in_dim3A_2 = arith.constant 1.000000e+00 : f32
    %broadcast_in_dim3A_3 = vector.broadcast %broadcast_in_dim3A_2 : f32 to vector<16xf32>
    %dma_start3A = arith.constant 0 : i32
    %dma_start3A_4 = arith.constant 0 : i32
    %dma_start3A_5 = arith.constant 0 : i32
    %dma_start3A_6 = tpu.memref_slice %arg3[%dma_start3A, %add3A, %dma_start3A_4, %dma_start3A_5] : memref<2x32x125x80xi32, #tpu.memory_space<hbm>> -> memref<1x1x1x80xi32, #tpu.memory_space<hbm>>
    %dma_start3A_7 = tpu.memref_squeeze %dma_start3A_6 : memref<1x1x1x80xi32, #tpu.memory_space<hbm>> -> memref<80xi32, #tpu.memory_space<hbm>>
    %dma_start3A_8 = arith.constant 0 : i32
    %dma_start3A_9 = tpu.memref_slice %arg3[%dma_start3A, %add3A, %dma_start3A_4, %dma_start3A_8] : memref<2x32x125x80xi32, #tpu.memory_space<hbm>> -> memref<1x1x1x80xi32, #tpu.memory_space<hbm>>
    %dma_start3A_10 = tpu.memref_squeeze %dma_start3A_9 : memref<1x1x1x80xi32, #tpu.memory_space<hbm>> -> memref<80xi32, #tpu.memory_space<hbm>>
    tpu.enqueue_dma source(%dma_start3A_10 : memref<80xi32, #tpu.memory_space<hbm>>) target(%arg11 : memref<80xi32, #tpu.memory_space<vmem>>) target_semaphore(%arg17 : memref<!tpu.dma_semaphore, #tpu.memory_space<semaphore_mem>>)
    %dma_start3A_11 = arith.constant 1 : i32
    %dma_start3A_12 = arith.constant 0 : i32
    %dma_start3A_13 = arith.constant 0 : i32
    %dma_start3A_14 = tpu.memref_slice %arg3[%dma_start3A_11, %add3A, %dma_start3A_12, %dma_start3A_13] : memref<2x32x125x80xi32, #tpu.memory_space<hbm>> -> memref<1x1x1x80xi32, #tpu.memory_space<hbm>>
    %dma_start3A_15 = tpu.memref_squeeze %dma_start3A_14 : memref<1x1x1x80xi32, #tpu.memory_space<hbm>> -> memref<80xi32, #tpu.memory_space<hbm>>
    %dma_start3A_16 = arith.constant 0 : i32
    %dma_start3A_17 = tpu.memref_slice %arg3[%dma_start3A_11, %add3A, %dma_start3A_12, %dma_start3A_16] : memref<2x32x125x80xi32, #tpu.memory_space<hbm>> -> memref<1x1x1x80xi32, #tpu.memory_space<hbm>>
    %dma_start3A_18 = tpu.memref_squeeze %dma_start3A_17 : memref<1x1x1x80xi32, #tpu.memory_space<hbm>> -> memref<80xi32, #tpu.memory_space<hbm>>
    tpu.enqueue_dma source(%dma_start3A_18 : memref<80xi32, #tpu.memory_space<hbm>>) target(%arg12 : memref<80xi32, #tpu.memory_space<vmem>>) target_semaphore(%arg17 : memref<!tpu.dma_semaphore, #tpu.memory_space<semaphore_mem>>)
    %dma_start3A_19 = arith.constant 0 : i32
    %dma_start3A_20 = arith.constant 1 : i32
    %dma_start3A_21 = arith.constant 0 : i32
    %dma_start3A_22 = tpu.memref_slice %arg3[%dma_start3A_19, %add3A, %dma_start3A_20, %dma_start3A_21] : memref<2x32x125x80xi32, #tpu.memory_space<hbm>> -> memref<1x1x1x80xi32, #tpu.memory_space<hbm>>
    %dma_start3A_23 = tpu.memref_squeeze %dma_start3A_22 : memref<1x1x1x80xi32, #tpu.memory_space<hbm>> -> memref<80xi32, #tpu.memory_space<hbm>>
    %dma_start3A_24 = arith.constant 0 : i32
    %dma_start3A_25 = tpu.memref_slice %arg3[%dma_start3A_19, %add3A, %dma_start3A_20, %dma_start3A_24] : memref<2x32x125x80xi32, #tpu.memory_space<hbm>> -> memref<1x1x1x80xi32, #tpu.memory_space<hbm>>
    %dma_start3A_26 = tpu.memref_squeeze %dma_start3A_25 : memref<1x1x1x80xi32, #tpu.memory_space<hbm>> -> memref<80xi32, #tpu.memory_space<hbm>>
    tpu.enqueue_dma source(%dma_start3A_26 : memref<80xi32, #tpu.memory_space<hbm>>) target(%arg13 : memref<80xi32, #tpu.memory_space<vmem>>) target_semaphore(%arg18 : memref<!tpu.dma_semaphore, #tpu.memory_space<semaphore_mem>>)
    %dma_start3A_27 = arith.constant 1 : i32
    %dma_start3A_28 = arith.constant 1 : i32
    %dma_start3A_29 = arith.constant 0 : i32
    %dma_start3A_30 = tpu.memref_slice %arg3[%dma_start3A_27, %add3A, %dma_start3A_28, %dma_start3A_29] : memref<2x32x125x80xi32, #tpu.memory_space<hbm>> -> memref<1x1x1x80xi32, #tpu.memory_space<hbm>>
    %dma_start3A_31 = tpu.memref_squeeze %dma_start3A_30 : memref<1x1x1x80xi32, #tpu.memory_space<hbm>> -> memref<80xi32, #tpu.memory_space<hbm>>
    %dma_start3A_32 = arith.constant 0 : i32
    %dma_start3A_33 = tpu.memref_slice %arg3[%dma_start3A_27, %add3A, %dma_start3A_28, %dma_start3A_32] : memref<2x32x125x80xi32, #tpu.memory_space<hbm>> -> memref<1x1x1x80xi32, #tpu.memory_space<hbm>>
    %dma_start3A_34 = tpu.memref_squeeze %dma_start3A_33 : memref<1x1x1x80xi32, #tpu.memory_space<hbm>> -> memref<80xi32, #tpu.memory_space<hbm>>
    tpu.enqueue_dma source(%dma_start3A_34 : memref<80xi32, #tpu.memory_space<hbm>>) target(%arg14 : memref<80xi32, #tpu.memory_space<vmem>>) target_semaphore(%arg18 : memref<!tpu.dma_semaphore, #tpu.memory_space<semaphore_mem>>)
    %scan3A = arith.constant 0 : i32
    %scan3A_35 = arith.constant 104 : i32
    %scan3A_36 = arith.addi %scan3A, %scan3A_35 : i32
    %scan3A_37 = arith.constant 1 : i32
    scf.for %scan3A_111 = %scan3A to %scan3A_36 step %scan3A_37  : i32 {
      %mul3A_112 = arith.constant 1 : i32
      %mul3A_113 = arith.muli %scan3A_111, %mul3A_112 : i32
      %add3A_114 = arith.constant 0 : i32
      %add3A_115 = arith.addi %add3A_114, %mul3A_113 : i32
      %scan3A_116 = arith.constant 0 : i32
      %scan3A_117 = arith.constant 8 : i32
      %scan3A_118 = arith.addi %scan3A_116, %scan3A_117 : i32
      %scan3A_119 = arith.constant 1 : i32
      scf.for %scan3A_121 = %scan3A_116 to %scan3A_118 step %scan3A_119  : i32 {
        %mul3A_122 = arith.constant 16 : i32
        %mul3A_123 = arith.muli %scan3A_121, %mul3A_122 : i32
        %add3A_124 = arith.constant 0 : i32
        %add3A_125 = arith.addi %add3A_124, %mul3A_123 : i32
        %swap3A = arith.index_cast %add3A_115 : i32 to index
        %swap3A_126 = arith.index_cast %add3A_125 : i32 to index
        %swap3A_127 = tpu.vector_load %arg8[%swap3A, %swap3A_126] {strides = array<i32>} : memref<104x128xf32, #tpu.memory_space<vmem>>, vector<1x16xf32>,
        %swap3A_128 = vector.shape_cast %swap3A_127 : vector<1x16xf32> to vector<16xf32>
        %swap3A_129 = vector.shape_cast %broadcast_in_dim3A_1 : vector<16xf32> to vector<1x16xf32>
        tpu.vector_store %arg8[%swap3A, %swap3A_126], %swap3A_129 {strides = array<i32>} : memref<104x128xf32, #tpu.memory_space<vmem>>, vector<1x16xf32>,
      }
      %scan3A_120 = arith.constant 8 : i32
    }
    %scan3A_38 = arith.constant 104 : i32
    %scan3A_39 = arith.constant 0 : i32
    %scan3A_40 = arith.constant 5 : i32
    %scan3A_41 = arith.addi %scan3A_39, %scan3A_40 : i32
    %scan3A_42 = arith.constant 1 : i32
    scf.for %scan3A_111 = %scan3A_39 to %scan3A_41 step %scan3A_42  : i32 {
      %mul3A_112 = arith.constant 16 : i32
      %mul3A_113 = arith.muli %scan3A_111, %mul3A_112 : i32
      %add3A_114 = arith.constant 0 : i32
      %add3A_115 = arith.addi %add3A_114, %mul3A_113 : i32
      %swap3A = arith.index_cast %add3A_115 : i32 to index
      %swap3A_116 = tpu.vector_load %arg15[%swap3A] {strides = array<i32>} : memref<80xf32, #tpu.memory_space<vmem>>, vector<16xf32>,
      %swap3A_117 = vector.shape_cast %swap3A_116 : vector<16xf32> to vector<16xf32>
      %swap3A_118 = vector.shape_cast %broadcast_in_dim3A_3 : vector<16xf32> to vector<16xf32>
      tpu.vector_store %arg15[%swap3A], %swap3A_118 {strides = array<i32>} : memref<80xf32, #tpu.memory_space<vmem>>, vector<16xf32>,
    }
    %scan3A_43 = arith.constant 5 : i32
    %mul3A_44 = arith.constant 624 : i32
    %mul3A_45 = arith.muli %arg1, %mul3A_44 : i32
    %scan3A_46 = arith.constant 0 : i32
    %scan3A_47 = arith.constant 6 : i32
    %scan3A_48 = arith.addi %scan3A_46, %scan3A_47 : i32
    %scan3A_49 = arith.constant 1 : i32
    scf.for %scan3A_111 = %scan3A_46 to %scan3A_48 step %scan3A_49  : i32 {
      %mul3A_112 = arith.constant 104 : i32
      %mul3A_113 = arith.muli %scan3A_111, %mul3A_112 : i32
      %add3A_114 = arith.constant 0 : i32
      %add3A_115 = arith.addi %add3A_114, %mul3A_113 : i32
      %add3A_116 = arith.addi %mul3A_45, %add3A_115 : i32
      %dma_start3A_117 = arith.constant 0 : i32
      %dma_start3A_118 = tpu.memref_slice %arg6[%add3A_116, %dma_start3A_117] : memref<10016x128xf32, #tpu.memory_space<vmem_shared>> -> memref<104x128xf32, #tpu.memory_space<vmem_shared>>
      %dma_start3A_119 = arith.constant 0 : i32
      %dma_start3A_120 = tpu.memref_slice %arg6[%add3A_116, %dma_start3A_119] : memref<10016x128xf32, #tpu.memory_space<vmem_shared>> -> memref<104x128xf32, #tpu.memory_space<vmem_shared>>
      tpu.enqueue_dma source(%arg8 : memref<104x128xf32, #tpu.memory_space<vmem>>) target(%dma_start3A_120 : memref<104x128xf32, #tpu.memory_space<vmem_shared>>) target_semaphore(%arg21 : memref<!tpu.dma_semaphore, #tpu.memory_space<semaphore_mem>>)
    }
    %scan3A_50 = arith.constant 6 : i32
    %eq3A = arith.constant 15 : i32
    %eq3A_51 = arith.cmpi eq, %arg1, %eq3A : i32
    %convert_element_type3A = arith.extui %eq3A_51 : i1 to i32
    %cond3A = arith.constant 0 : i32
    %cond3A_52 = arith.cmpi ne, %convert_element_type3A, %cond3A : i32
    scf.if %cond3A_52 {
      %dma_start3A_111 = arith.constant 0 : i32
      %dma_start3A_112 = arith.constant 0 : i32
      %dma_start3A_113 = tpu.memref_slice %arg8[%dma_start3A_111, %dma_start3A_112] : memref<104x128xf32, #tpu.memory_space<vmem>> -> memref<32x128xf32, #tpu.memory_space<vmem>>
      %dma_start3A_114 = arith.constant 9984 : i32
      %dma_start3A_115 = arith.constant 0 : i32
      %dma_start3A_116 = tpu.memref_slice %arg6[%dma_start3A_114, %dma_start3A_115] : memref<10016x128xf32, #tpu.memory_space<vmem_shared>> -> memref<32x128xf32, #tpu.memory_space<vmem_shared>>
      %dma_start3A_117 = arith.constant 9984 : i32
      %dma_start3A_118 = arith.constant 0 : i32
      %dma_start3A_119 = tpu.memref_slice %arg6[%dma_start3A_117, %dma_start3A_118] : memref<10016x128xf32, #tpu.memory_space<vmem_shared>> -> memref<32x128xf32, #tpu.memory_space<vmem_shared>>
      %dma_start3A_120 = arith.constant 0 : i32
      %dma_start3A_121 = arith.constant 0 : i32
      %dma_start3A_122 = tpu.memref_slice %arg8[%dma_start3A_120, %dma_start3A_121] : memref<104x128xf32, #tpu.memory_space<vmem>> -> memref<32x128xf32, #tpu.memory_space<vmem>>
      tpu.enqueue_dma source(%dma_start3A_122 : memref<32x128xf32, #tpu.memory_space<vmem>>) target(%dma_start3A_119 : memref<32x128xf32, #tpu.memory_space<vmem_shared>>) target_semaphore(%arg21 : memref<!tpu.dma_semaphore, #tpu.memory_space<semaphore_mem>>)
    } else {
    }
    %eq3A_53 = arith.constant 0 : i32
    %eq3A_54 = arith.cmpi eq, %arg1, %eq3A_53 : i32
    %convert_element_type3A_55 = arith.extui %eq3A_54 : i1 to i32
    %cond3A_56 = arith.constant 0 : i32
    %cond3A_57 = arith.cmpi ne, %convert_element_type3A_55, %cond3A_56 : i32
    scf.if %cond3A_57 {
      %scan3A_111 = arith.constant 0 : i32
      %scan3A_112 = arith.constant 157 : i32
      %scan3A_113 = arith.addi %scan3A_111, %scan3A_112 : i32
      %scan3A_114 = arith.constant 1 : i32
      scf.for %scan3A_126 = %scan3A_111 to %scan3A_113 step %scan3A_114  : i32 {
        %mul3A_127 = arith.constant 16 : i32
        %mul3A_128 = arith.muli %scan3A_126, %mul3A_127 : i32
        %add3A_129 = arith.constant 0 : i32
        %add3A_130 = arith.addi %add3A_129, %mul3A_128 : i32
        %swap3A = arith.index_cast %add3A_130 : i32 to index
        %swap3A_131 = tpu.vector_load %arg16[%swap3A] {strides = array<i32>} : memref<2504xf32, #tpu.memory_space<vmem>>, vector<16xf32>,
        %swap3A_132 = vector.shape_cast %swap3A_131 : vector<16xf32> to vector<16xf32>
        %swap3A_133 = vector.shape_cast %broadcast_in_dim3A_1 : vector<16xf32> to vector<16xf32>
        tpu.vector_store %arg16[%swap3A], %swap3A_133 {strides = array<i32>} : memref<2504xf32, #tpu.memory_space<vmem>>, vector<16xf32>,
      }
      %scan3A_115 = arith.constant 157 : i32
      %scan3A_116 = arith.constant 0 : i32
      %scan3A_117 = arith.constant 4 : i32
      %scan3A_118 = arith.addi %scan3A_116, %scan3A_117 : i32
      %scan3A_119 = arith.constant 1 : i32
      scf.for %scan3A_126 = %scan3A_116 to %scan3A_118 step %scan3A_119  : i32 {
        %mul3A_127 = arith.constant 2504 : i32
        %mul3A_128 = arith.muli %scan3A_126, %mul3A_127 : i32
        %add3A_129 = arith.constant 0 : i32
        %add3A_130 = arith.addi %add3A_129, %mul3A_128 : i32
        %dma_start3A_131 = tpu.memref_slice %arg7[%add3A_130] : memref<10016xf32, #tpu.memory_space<vmem_shared>> -> memref<2504xf32, #tpu.memory_space<vmem_shared>>
        %dma_start3A_132 = tpu.memref_slice %arg7[%add3A_130] : memref<10016xf32, #tpu.memory_space<vmem_shared>> -> memref<2504xf32, #tpu.memory_space<vmem_shared>>
        tpu.enqueue_dma source(%arg16 : memref<2504xf32, #tpu.memory_space<vmem>>) target(%dma_start3A_132 : memref<2504xf32, #tpu.memory_space<vmem_shared>>) target_semaphore(%arg21 : memref<!tpu.dma_semaphore, #tpu.memory_space<semaphore_mem>>)
      }
      %scan3A_120 = arith.constant 4 : i32
      %scan3A_121 = arith.constant 0 : i32
      %scan3A_122 = arith.constant 4 : i32
      %scan3A_123 = arith.addi %scan3A_121, %scan3A_122 : i32
      %scan3A_124 = arith.constant 1 : i32
      scf.for %scan3A_126 = %scan3A_121 to %scan3A_123 step %scan3A_124  : i32 {
        %mul3A_127 = arith.constant 2504 : i32
        %mul3A_128 = arith.muli %scan3A_126, %mul3A_127 : i32
        %add3A_129 = arith.constant 0 : i32
        %add3A_130 = arith.addi %add3A_129, %mul3A_128 : i32
        %dma_wait3A_131 = tpu.memref_slice %arg7[%add3A_130] : memref<10016xf32, #tpu.memory_space<vmem_shared>> -> memref<2504xf32, #tpu.memory_space<vmem_shared>>
        %dma_wait3A_132 = tpu.memref_slice %arg7[%add3A_130] : memref<10016xf32, #tpu.memory_space<vmem_shared>> -> memref<2504xf32, #tpu.memory_space<vmem_shared>>
        tpu.wait_dma2 semaphore(%arg21 : memref<!tpu.dma_semaphore, #tpu.memory_space<semaphore_mem>>) src(%arg16 : memref<2504xf32, #tpu.memory_space<vmem>>) dst(%dma_wait3A_132 : memref<2504xf32, #tpu.memory_space<vmem_shared>>)
      }
      %scan3A_125 = arith.constant 4 : i32
    } else {
    }
    %dma_wait3A = arith.constant 0 : i32
    %dma_wait3A_58 = arith.constant 0 : i32
    %dma_wait3A_59 = arith.constant 0 : i32
    %dma_wait3A_60 = tpu.memref_slice %arg3[%dma_wait3A, %add3A, %dma_wait3A_58, %dma_wait3A_59] : memref<2x32x125x80xi32, #tpu.memory_space<hbm>> -> memref<1x1x1x80xi32, #tpu.memory_space<hbm>>
    %dma_wait3A_61 = tpu.memref_squeeze %dma_wait3A_60 : memref<1x1x1x80xi32, #tpu.memory_space<hbm>> -> memref<80xi32, #tpu.memory_space<hbm>>
    %dma_wait3A_62 = arith.constant 0 : i32
    %dma_wait3A_63 = tpu.memref_slice %arg3[%dma_wait3A, %add3A, %dma_wait3A_58, %dma_wait3A_62] : memref<2x32x125x80xi32, #tpu.memory_space<hbm>> -> memref<1x1x1x80xi32, #tpu.memory_space<hbm>>
    %dma_wait3A_64 = tpu.memref_squeeze %dma_wait3A_63 : memref<1x1x1x80xi32, #tpu.memory_space<hbm>> -> memref<80xi32, #tpu.memory_space<hbm>>
    tpu.wait_dma2 semaphore(%arg17 : memref<!tpu.dma_semaphore, #tpu.memory_space<semaphore_mem>>) src(%dma_wait3A_64 : memref<80xi32, #tpu.memory_space<hbm>>) dst(%arg11 : memref<80xi32, #tpu.memory_space<vmem>>)
    %dma_wait3A_65 = arith.constant 1 : i32
    %dma_wait3A_66 = arith.constant 0 : i32
    %dma_wait3A_67 = arith.constant 0 : i32
    %dma_wait3A_68 = tpu.memref_slice %arg3[%dma_wait3A_65, %add3A, %dma_wait3A_66, %dma_wait3A_67] : memref<2x32x125x80xi32, #tpu.memory_space<hbm>> -> memref<1x1x1x80xi32, #tpu.memory_space<hbm>>
    %dma_wait3A_69 = tpu.memref_squeeze %dma_wait3A_68 : memref<1x1x1x80xi32, #tpu.memory_space<hbm>> -> memref<80xi32, #tpu.memory_space<hbm>>
    %dma_wait3A_70 = arith.constant 0 : i32
    %dma_wait3A_71 = tpu.memref_slice %arg3[%dma_wait3A_65, %add3A, %dma_wait3A_66, %dma_wait3A_70] : memref<2x32x125x80xi32, #tpu.memory_space<hbm>> -> memref<1x1x1x80xi32, #tpu.memory_space<hbm>>
    %dma_wait3A_72 = tpu.memref_squeeze %dma_wait3A_71 : memref<1x1x1x80xi32, #tpu.memory_space<hbm>> -> memref<80xi32, #tpu.memory_space<hbm>>
    tpu.wait_dma2 semaphore(%arg17 : memref<!tpu.dma_semaphore, #tpu.memory_space<semaphore_mem>>) src(%dma_wait3A_72 : memref<80xi32, #tpu.memory_space<hbm>>) dst(%arg12 : memref<80xi32, #tpu.memory_space<vmem>>)
    %dma_start3A_73 = arith.constant 0 : i32
    %dma_start3A_74 = arith.constant 0 : i32
    %dma_start3A_75 = tpu.memref_slice %arg2[%dma_start3A_73, %dma_start3A_74] : memref<10000x128xf32, #tpu.memory_space<hbm>> -> memref<10000x128xf32, #tpu.memory_space<hbm>>
    tpu.enqueue_indirect_dma source(%dma_start3A_75 : memref<10000x128xf32, #tpu.memory_space<hbm>>) target(%arg9 : memref<80x128xf32, #tpu.memory_space<vmem>>) offsets(%arg11 : memref<80xi32, #tpu.memory_space<vmem>>) semaphore(%arg19 : memref<!tpu.dma_semaphore, #tpu.memory_space<semaphore_mem>>)
    %scan3A_76 = arith.constant 0 : i32
    %scan3A_77 = arith.constant 6 : i32
    %scan3A_78 = arith.addi %scan3A_76, %scan3A_77 : i32
    %scan3A_79 = arith.constant 1 : i32
    scf.for %scan3A_111 = %scan3A_76 to %scan3A_78 step %scan3A_79  : i32 {
      %mul3A_112 = arith.constant 104 : i32
      %mul3A_113 = arith.muli %scan3A_111, %mul3A_112 : i32
      %add3A_114 = arith.constant 0 : i32
      %add3A_115 = arith.addi %add3A_114, %mul3A_113 : i32
      %add3A_116 = arith.addi %mul3A_45, %add3A_115 : i32
      %dma_wait3A_117 = arith.constant 0 : i32
      %dma_wait3A_118 = tpu.memref_slice %arg6[%add3A_116, %dma_wait3A_117] : memref<10016x128xf32, #tpu.memory_space<vmem_shared>> -> memref<104x128xf32, #tpu.memory_space<vmem_shared>>
      %dma_wait3A_119 = arith.constant 0 : i32
      %dma_wait3A_120 = tpu.memref_slice %arg6[%add3A_116, %dma_wait3A_119] : memref<10016x128xf32, #tpu.memory_space<vmem_shared>> -> memref<104x128xf32, #tpu.memory_space<vmem_shared>>
      tpu.wait_dma2 semaphore(%arg21 : memref<!tpu.dma_semaphore, #tpu.memory_space<semaphore_mem>>) src(%arg8 : memref<104x128xf32, #tpu.memory_space<vmem>>) dst(%dma_wait3A_120 : memref<104x128xf32, #tpu.memory_space<vmem_shared>>)
    }
    %scan3A_80 = arith.constant 6 : i32
    %eq3A_81 = arith.constant 15 : i32
    %eq3A_82 = arith.cmpi eq, %arg1, %eq3A_81 : i32
    %convert_element_type3A_83 = arith.extui %eq3A_82 : i1 to i32
    %cond3A_84 = arith.constant 0 : i32
    %cond3A_85 = arith.cmpi ne, %convert_element_type3A_83, %cond3A_84 : i32
    scf.if %cond3A_85 {
      %dma_wait3A_111 = arith.constant 0 : i32
      %dma_wait3A_112 = arith.constant 0 : i32
      %dma_wait3A_113 = tpu.memref_slice %arg8[%dma_wait3A_111, %dma_wait3A_112] : memref<104x128xf32, #tpu.memory_space<vmem>> -> memref<32x128xf32, #tpu.memory_space<vmem>>
      %dma_wait3A_114 = arith.constant 9984 : i32
      %dma_wait3A_115 = arith.constant 0 : i32
      %dma_wait3A_116 = tpu.memref_slice %arg6[%dma_wait3A_114, %dma_wait3A_115] : memref<10016x128xf32, #tpu.memory_space<vmem_shared>> -> memref<32x128xf32, #tpu.memory_space<vmem_shared>>
      %dma_wait3A_117 = arith.constant 9984 : i32
      %dma_wait3A_118 = arith.constant 0 : i32
      %dma_wait3A_119 = tpu.memref_slice %arg6[%dma_wait3A_117, %dma_wait3A_118] : memref<10016x128xf32, #tpu.memory_space<vmem_shared>> -> memref<32x128xf32, #tpu.memory_space<vmem_shared>>
      %dma_wait3A_120 = arith.constant 0 : i32
      %dma_wait3A_121 = arith.constant 0 : i32
      %dma_wait3A_122 = tpu.memref_slice %arg8[%dma_wait3A_120, %dma_wait3A_121] : memref<104x128xf32, #tpu.memory_space<vmem>> -> memref<32x128xf32, #tpu.memory_space<vmem>>
      tpu.wait_dma2 semaphore(%arg21 : memref<!tpu.dma_semaphore, #tpu.memory_space<semaphore_mem>>) src(%dma_wait3A_122 : memref<32x128xf32, #tpu.memory_space<vmem>>) dst(%dma_wait3A_119 : memref<32x128xf32, #tpu.memory_space<vmem_shared>>)
    } else {
    }
    %barrier3A = arith.constant 0 : index
    tpu.barrier barrier_id(%barrier3A)
    %scan3A_86 = arith.constant 0 : i32
    %scan3A_87 = arith.constant 62 : i32
    %scan3A_88 = arith.addi %scan3A_86, %scan3A_87 : i32
    %scan3A_89 = arith.constant 1 : i32
    scf.for %scan3A_111 = %scan3A_86 to %scan3A_88 step %scan3A_89  : i32 {
      %mul3A_112 = arith.constant 2 : i32
      %mul3A_113 = arith.muli %scan3A_111, %mul3A_112 : i32
      %add3A_114 = arith.constant 0 : i32
      %add3A_115 = arith.addi %add3A_114, %mul3A_113 : i32
      %add3A_116 = arith.constant 1 : i32
      %add3A_117 = arith.addi %add3A_115, %add3A_116 : i32
      %dma_wait3A_118 = arith.constant 0 : i32
      %dma_wait3A_119 = arith.constant 0 : i32
      %dma_wait3A_120 = tpu.memref_slice %arg3[%dma_wait3A_118, %add3A, %add3A_117, %dma_wait3A_119] : memref<2x32x125x80xi32, #tpu.memory_space<hbm>> -> memref<1x1x1x80xi32, #tpu.memory_space<hbm>>
      %dma_wait3A_121 = tpu.memref_squeeze %dma_wait3A_120 : memref<1x1x1x80xi32, #tpu.memory_space<hbm>> -> memref<80xi32, #tpu.memory_space<hbm>>
      %dma_wait3A_122 = arith.constant 0 : i32
      %dma_wait3A_123 = tpu.memref_slice %arg3[%dma_wait3A_118, %add3A, %add3A_117, %dma_wait3A_122] : memref<2x32x125x80xi32, #tpu.memory_space<hbm>> -> memref<1x1x1x80xi32, #tpu.memory_space<hbm>>
      %dma_wait3A_124 = tpu.memref_squeeze %dma_wait3A_123 : memref<1x1x1x80xi32, #tpu.memory_space<hbm>> -> memref<80xi32, #tpu.memory_space<hbm>>
      tpu.wait_dma2 semaphore(%arg18 : memref<!tpu.dma_semaphore, #tpu.memory_space<semaphore_mem>>) src(%dma_wait3A_124 : memref<80xi32, #tpu.memory_space<hbm>>) dst(%arg13 : memref<80xi32, #tpu.memory_space<vmem>>)
      %dma_wait3A_125 = arith.constant 1 : i32
      %dma_wait3A_126 = arith.constant 0 : i32
      %dma_wait3A_127 = tpu.memref_slice %arg3[%dma_wait3A_125, %add3A, %add3A_117, %dma_wait3A_126] : memref<2x32x125x80xi32, #tpu.memory_space<hbm>> -> memref<1x1x1x80xi32, #tpu.memory_space<hbm>>
      %dma_wait3A_128 = tpu.memref_squeeze %dma_wait3A_127 : memref<1x1x1x80xi32, #tpu.memory_space<hbm>> -> memref<80xi32, #tpu.memory_space<hbm>>
      %dma_wait3A_129 = arith.constant 0 : i32
      %dma_wait3A_130 = tpu.memref_slice %arg3[%dma_wait3A_125, %add3A, %add3A_117, %dma_wait3A_129] : memref<2x32x125x80xi32, #tpu.memory_space<hbm>> -> memref<1x1x1x80xi32, #tpu.memory_space<hbm>>
      %dma_wait3A_131 = tpu.memref_squeeze %dma_wait3A_130 : memref<1x1x1x80xi32, #tpu.memory_space<hbm>> -> memref<80xi32, #tpu.memory_space<hbm>>
      tpu.wait_dma2 semaphore(%arg18 : memref<!tpu.dma_semaphore, #tpu.memory_space<semaphore_mem>>) src(%dma_wait3A_131 : memref<80xi32, #tpu.memory_space<hbm>>) dst(%arg14 : memref<80xi32, #tpu.memory_space<vmem>>)
      %dma_start3A_132 = arith.constant 0 : i32
      %dma_start3A_133 = arith.constant 0 : i32
      %dma_start3A_134 = tpu.memref_slice %arg2[%dma_start3A_132, %dma_start3A_133] : memref<10000x128xf32, #tpu.memory_space<hbm>> -> memref<10000x128xf32, #tpu.memory_space<hbm>>
      tpu.enqueue_indirect_dma source(%dma_start3A_134 : memref<10000x128xf32, #tpu.memory_space<hbm>>) target(%arg10 : memref<80x128xf32, #tpu.memory_space<vmem>>) offsets(%arg13 : memref<80xi32, #tpu.memory_space<vmem>>) semaphore(%arg20 : memref<!tpu.dma_semaphore, #tpu.memory_space<semaphore_mem>>)
      %dma_wait3A_135 = arith.constant 0 : i32
      %dma_wait3A_136 = arith.constant 0 : i32
      %dma_wait3A_137 = tpu.memref_slice %arg2[%dma_wait3A_135, %dma_wait3A_136] : memref<10000x128xf32, #tpu.memory_space<hbm>> -> memref<80x128xf32, #tpu.memory_space<hbm>>
      %dma_wait3A_138 = arith.constant 0 : i32
      %dma_wait3A_139 = arith.constant 0 : i32
      %dma_wait3A_140 = tpu.memref_slice %arg2[%dma_wait3A_138, %dma_wait3A_139] : memref<10000x128xf32, #tpu.memory_space<hbm>> -> memref<80x128xf32, #tpu.memory_space<hbm>>
      tpu.wait_dma2 semaphore(%arg19 : memref<!tpu.dma_semaphore, #tpu.memory_space<semaphore_mem>>) src(%dma_wait3A_140 : memref<80x128xf32, #tpu.memory_space<hbm>>) dst(%arg9 : memref<80x128xf32, #tpu.memory_space<vmem>>)
      "tpu.region"() ({
        %run_scoped3A = tpu.sem_alloc : memref<!tpu.dma_semaphore, #tpu.memory_space<semaphore_mem>>
        %dma_start3A_188 = arith.constant 0 : i32
        %dma_start3A_189 = arith.constant 0 : i32
        %dma_start3A_190 = tpu.memref_slice %arg6[%dma_start3A_188, %dma_start3A_189] : memref<10016x128xf32, #tpu.memory_space<vmem_shared>> -> memref<10016x128xf32, #tpu.memory_space<vmem_shared>>
        tpu.enqueue_indirect_dma source(%arg9 : memref<80x128xf32, #tpu.memory_space<vmem>>) target(%dma_start3A_190 : memref<10016x128xf32, #tpu.memory_space<vmem_shared>>) offsets(%arg12 : memref<80xi32, #tpu.memory_space<vmem>>) semaphore(%run_scoped3A : memref<!tpu.dma_semaphore, #tpu.memory_space<semaphore_mem>>) {add = true}
        %dma_wait3A_191 = arith.constant 0 : i32
        %dma_wait3A_192 = arith.constant 0 : i32
        %dma_wait3A_193 = tpu.memref_slice %arg6[%dma_wait3A_191, %dma_wait3A_192] : memref<10016x128xf32, #tpu.memory_space<vmem_shared>> -> memref<10016x128xf32, #tpu.memory_space<vmem_shared>>
        tpu.wait_indirect_dma semaphore(%run_scoped3A : memref<!tpu.dma_semaphore, #tpu.memory_space<semaphore_mem>>) src(%arg9 : memref<80x128xf32, #tpu.memory_space<vmem>>) dst(%dma_wait3A_193 : memref<10016x128xf32, #tpu.memory_space<vmem_shared>>)
        tpu.yield
      }) : () -> ()
      "tpu.region"() ({
        %run_scoped3A = tpu.sem_alloc : memref<!tpu.dma_semaphore, #tpu.memory_space<semaphore_mem>>
        %dma_start3A_188 = arith.constant 0 : i32
        %dma_start3A_189 = tpu.memref_slice %arg7[%dma_start3A_188] : memref<10016xf32, #tpu.memory_space<vmem_shared>> -> memref<10016xf32, #tpu.memory_space<vmem_shared>>
        tpu.enqueue_indirect_dma source(%arg15 : memref<80xf32, #tpu.memory_space<vmem>>) target(%dma_start3A_189 : memref<10016xf32, #tpu.memory_space<vmem_shared>>) offsets(%arg12 : memref<80xi32, #tpu.memory_space<vmem>>) semaphore(%run_scoped3A : memref<!tpu.dma_semaphore, #tpu.memory_space<semaphore_mem>>) {add = true}
        %dma_wait3A_190 = arith.constant 0 : i32
        %dma_wait3A_191 = tpu.memref_slice %arg7[%dma_wait3A_190] : memref<10016xf32, #tpu.memory_space<vmem_shared>> -> memref<10016xf32, #tpu.memory_space<vmem_shared>>
        tpu.wait_indirect_dma semaphore(%run_scoped3A : memref<!tpu.dma_semaphore, #tpu.memory_space<semaphore_mem>>) src(%arg15 : memref<80xf32, #tpu.memory_space<vmem>>) dst(%dma_wait3A_191 : memref<10016xf32, #tpu.memory_space<vmem_shared>>)
        tpu.yield
      }) : () -> ()
      %add3A_141 = arith.constant 2 : i32
      %add3A_142 = arith.addi %add3A_115, %add3A_141 : i32
      %dma_start3A_143 = arith.constant 0 : i32
      %dma_start3A_144 = arith.constant 0 : i32
      %dma_start3A_145 = tpu.memref_slice %arg3[%dma_start3A_143, %add3A, %add3A_142, %dma_start3A_144] : memref<2x32x125x80xi32, #tpu.memory_space<hbm>> -> memref<1x1x1x80xi32, #tpu.memory_space<hbm>>
      %dma_start3A_146 = tpu.memref_squeeze %dma_start3A_145 : memref<1x1x1x80xi32, #tpu.memory_space<hbm>> -> memref<80xi32, #tpu.memory_space<hbm>>
      %dma_start3A_147 = arith.constant 0 : i32
      %dma_start3A_148 = tpu.memref_slice %arg3[%dma_start3A_143, %add3A, %add3A_142, %dma_start3A_147] : memref<2x32x125x80xi32, #tpu.memory_space<hbm>> -> memref<1x1x1x80xi32, #tpu.memory_space<hbm>>
      %dma_start3A_149 = tpu.memref_squeeze %dma_start3A_148 : memref<1x1x1x80xi32, #tpu.memory_space<hbm>> -> memref<80xi32, #tpu.memory_space<hbm>>
      tpu.enqueue_dma source(%dma_start3A_149 : memref<80xi32, #tpu.memory_space<hbm>>) target(%arg11 : memref<80xi32, #tpu.memory_space<vmem>>) target_semaphore(%arg17 : memref<!tpu.dma_semaphore, #tpu.memory_space<semaphore_mem>>)
      %dma_start3A_150 = arith.constant 1 : i32
      %dma_start3A_151 = arith.constant 0 : i32
      %dma_start3A_152 = tpu.memref_slice %arg3[%dma_start3A_150, %add3A, %add3A_142, %dma_start3A_151] : memref<2x32x125x80xi32, #tpu.memory_space<hbm>> -> memref<1x1x1x80xi32, #tpu.memory_space<hbm>>
      %dma_start3A_153 = tpu.memref_squeeze %dma_start3A_152 : memref<1x1x1x80xi32, #tpu.memory_space<hbm>> -> memref<80xi32, #tpu.memory_space<hbm>>
      %dma_start3A_154 = arith.constant 0 : i32
      %dma_start3A_155 = tpu.memref_slice %arg3[%dma_start3A_150, %add3A, %add3A_142, %dma_start3A_154] : memref<2x32x125x80xi32, #tpu.memory_space<hbm>> -> memref<1x1x1x80xi32, #tpu.memory_space<hbm>>
      %dma_start3A_156 = tpu.memref_squeeze %dma_start3A_155 : memref<1x1x1x80xi32, #tpu.memory_space<hbm>> -> memref<80xi32, #tpu.memory_space<hbm>>
      tpu.enqueue_dma source(%dma_start3A_156 : memref<80xi32, #tpu.memory_space<hbm>>) target(%arg12 : memref<80xi32, #tpu.memory_space<vmem>>) target_semaphore(%arg17 : memref<!tpu.dma_semaphore, #tpu.memory_space<semaphore_mem>>)
      %add3A_157 = arith.constant 2 : i32
      %add3A_158 = arith.addi %add3A_115, %add3A_157 : i32
      %dma_wait3A_159 = arith.constant 0 : i32
      %dma_wait3A_160 = arith.constant 0 : i32
      %dma_wait3A_161 = tpu.memref_slice %arg3[%dma_wait3A_159, %add3A, %add3A_158, %dma_wait3A_160] : memref<2x32x125x80xi32, #tpu.memory_space<hbm>> -> memref<1x1x1x80xi32, #tpu.memory_space<hbm>>
      %dma_wait3A_162 = tpu.memref_squeeze %dma_wait3A_161 : memref<1x1x1x80xi32, #tpu.memory_space<hbm>> -> memref<80xi32, #tpu.memory_space<hbm>>
      %dma_wait3A_163 = arith.constant 0 : i32
      %dma_wait3A_164 = tpu.memref_slice %arg3[%dma_wait3A_159, %add3A, %add3A_158, %dma_wait3A_163] : memref<2x32x125x80xi32, #tpu.memory_space<hbm>> -> memref<1x1x1x80xi32, #tpu.memory_space<hbm>>
      %dma_wait3A_165 = tpu.memref_squeeze %dma_wait3A_164 : memref<1x1x1x80xi32, #tpu.memory_space<hbm>> -> memref<80xi32, #tpu.memory_space<hbm>>
      tpu.wait_dma2 semaphore(%arg17 : memref<!tpu.dma_semaphore, #tpu.memory_space<semaphore_mem>>) src(%dma_wait3A_165 : memref<80xi32, #tpu.memory_space<hbm>>) dst(%arg11 : memref<80xi32, #tpu.memory_space<vmem>>)
      %dma_wait3A_166 = arith.constant 1 : i32
      %dma_wait3A_167 = arith.constant 0 : i32
      %dma_wait3A_168 = tpu.memref_slice %arg3[%dma_wait3A_166, %add3A, %add3A_158, %dma_wait3A_167] : memref<2x32x125x80xi32, #tpu.memory_space<hbm>> -> memref<1x1x1x80xi32, #tpu.memory_space<hbm>>
      %dma_wait3A_169 = tpu.memref_squeeze %dma_wait3A_168 : memref<1x1x1x80xi32, #tpu.memory_space<hbm>> -> memref<80xi32, #tpu.memory_space<hbm>>
      %dma_wait3A_170 = arith.constant 0 : i32
      %dma_wait3A_171 = tpu.memref_slice %arg3[%dma_wait3A_166, %add3A, %add3A_158, %dma_wait3A_170] : memref<2x32x125x80xi32, #tpu.memory_space<hbm>> -> memref<1x1x1x80xi32, #tpu.memory_space<hbm>>
      %dma_wait3A_172 = tpu.memref_squeeze %dma_wait3A_171 : memref<1x1x1x80xi32, #tpu.memory_space<hbm>> -> memref<80xi32, #tpu.memory_space<hbm>>
      tpu.wait_dma2 semaphore(%arg17 : memref<!tpu.dma_semaphore, #tpu.memory_space<semaphore_mem>>) src(%dma_wait3A_172 : memref<80xi32, #tpu.memory_space<hbm>>) dst(%arg12 : memref<80xi32, #tpu.memory_space<vmem>>)
      %dma_start3A_173 = arith.constant 0 : i32
      %dma_start3A_174 = arith.constant 0 : i32
      %dma_start3A_175 = tpu.memref_slice %arg2[%dma_start3A_173, %dma_start3A_174] : memref<10000x128xf32, #tpu.memory_space<hbm>> -> memref<10000x128xf32, #tpu.memory_space<hbm>>
      tpu.enqueue_indirect_dma source(%dma_start3A_175 : memref<10000x128xf32, #tpu.memory_space<hbm>>) target(%arg9 : memref<80x128xf32, #tpu.memory_space<vmem>>) offsets(%arg11 : memref<80xi32, #tpu.memory_space<vmem>>) semaphore(%arg19 : memref<!tpu.dma_semaphore, #tpu.memory_space<semaphore_mem>>)
      %dma_wait3A_176 = arith.constant 0 : i32
      %dma_wait3A_177 = arith.constant 0 : i32
      %dma_wait3A_178 = tpu.memref_slice %arg2[%dma_wait3A_176, %dma_wait3A_177] : memref<10000x128xf32, #tpu.memory_space<hbm>> -> memref<80x128xf32, #tpu.memory_space<hbm>>
      %dma_wait3A_179 = arith.constant 0 : i32
      %dma_wait3A_180 = arith.constant 0 : i32
      %dma_wait3A_181 = tpu.memref_slice %arg2[%dma_wait3A_179, %dma_wait3A_180] : memref<10000x128xf32, #tpu.memory_space<hbm>> -> memref<80x128xf32, #tpu.memory_space<hbm>>
      tpu.wait_dma2 semaphore(%arg20 : memref<!tpu.dma_semaphore, #tpu.memory_space<semaphore_mem>>) src(%dma_wait3A_181 : memref<80x128xf32, #tpu.memory_space<hbm>>) dst(%arg10 : memref<80x128xf32, #tpu.memory_space<vmem>>)
      "tpu.region"() ({
        %run_scoped3A = tpu.sem_alloc : memref<!tpu.dma_semaphore, #tpu.memory_space<semaphore_mem>>
        %dma_start3A_188 = arith.constant 0 : i32
        %dma_start3A_189 = arith.constant 0 : i32
        %dma_start3A_190 = tpu.memref_slice %arg6[%dma_start3A_188, %dma_start3A_189] : memref<10016x128xf32, #tpu.memory_space<vmem_shared>> -> memref<10016x128xf32, #tpu.memory_space<vmem_shared>>
        tpu.enqueue_indirect_dma source(%arg10 : memref<80x128xf32, #tpu.memory_space<vmem>>) target(%dma_start3A_190 : memref<10016x128xf32, #tpu.memory_space<vmem_shared>>) offsets(%arg14 : memref<80xi32, #tpu.memory_space<vmem>>) semaphore(%run_scoped3A : memref<!tpu.dma_semaphore, #tpu.memory_space<semaphore_mem>>) {add = true}
        %dma_wait3A_191 = arith.constant 0 : i32
        %dma_wait3A_192 = arith.constant 0 : i32
        %dma_wait3A_193 = tpu.memref_slice %arg6[%dma_wait3A_191, %dma_wait3A_192] : memref<10016x128xf32, #tpu.memory_space<vmem_shared>> -> memref<10016x128xf32, #tpu.memory_space<vmem_shared>>
        tpu.wait_indirect_dma semaphore(%run_scoped3A : memref<!tpu.dma_semaphore, #tpu.memory_space<semaphore_mem>>) src(%arg10 : memref<80x128xf32, #tpu.memory_space<vmem>>) dst(%dma_wait3A_193 : memref<10016x128xf32, #tpu.memory_space<vmem_shared>>)
        tpu.yield
      }) : () -> ()
      "tpu.region"() ({
        %run_scoped3A = tpu.sem_alloc : memref<!tpu.dma_semaphore, #tpu.memory_space<semaphore_mem>>
        %dma_start3A_188 = arith.constant 0 : i32
        %dma_start3A_189 = tpu.memref_slice %arg7[%dma_start3A_188] : memref<10016xf32, #tpu.memory_space<vmem_shared>> -> memref<10016xf32, #tpu.memory_space<vmem_shared>>
        tpu.enqueue_indirect_dma source(%arg15 : memref<80xf32, #tpu.memory_space<vmem>>) target(%dma_start3A_189 : memref<10016xf32, #tpu.memory_space<vmem_shared>>) offsets(%arg14 : memref<80xi32, #tpu.memory_space<vmem>>) semaphore(%run_scoped3A : memref<!tpu.dma_semaphore, #tpu.memory_space<semaphore_mem>>) {add = true}
        %dma_wait3A_190 = arith.constant 0 : i32
        %dma_wait3A_191 = tpu.memref_slice %arg7[%dma_wait3A_190] : memref<10016xf32, #tpu.memory_space<vmem_shared>> -> memref<10016xf32, #tpu.memory_space<vmem_shared>>
        tpu.wait_indirect_dma semaphore(%run_scoped3A : memref<!tpu.dma_semaphore, #tpu.memory_space<semaphore_mem>>) src(%arg15 : memref<80xf32, #tpu.memory_space<vmem>>) dst(%dma_wait3A_191 : memref<10016xf32, #tpu.memory_space<vmem_shared>>)
        tpu.yield
      }) : () -> ()
      %add3A_182 = arith.constant 3 : i32
      %add3A_183 = arith.addi %add3A_115, %add3A_182 : i32
      %lt3A = arith.constant 125 : i32
      %lt3A_184 = arith.cmpi slt, %add3A_183, %lt3A : i32
      %convert_element_type3A_185 = arith.extui %lt3A_184 : i1 to i32
      %cond3A_186 = arith.constant 0 : i32
      %cond3A_187 = arith.cmpi ne, %convert_element_type3A_185, %cond3A_186 : i32
      scf.if %cond3A_187 {
        %add3A_188 = arith.constant 3 : i32
        %add3A_189 = arith.addi %add3A_115, %add3A_188 : i32
        %dma_start3A_190 = arith.constant 0 : i32
        %dma_start3A_191 = arith.constant 0 : i32
        %dma_start3A_192 = tpu.memref_slice %arg3[%dma_start3A_190, %add3A, %add3A_189, %dma_start3A_191] : memref<2x32x125x80xi32, #tpu.memory_space<hbm>> -> memref<1x1x1x80xi32, #tpu.memory_space<hbm>>
        %dma_start3A_193 = tpu.memref_squeeze %dma_start3A_192 : memref<1x1x1x80xi32, #tpu.memory_space<hbm>> -> memref<80xi32, #tpu.memory_space<hbm>>
        %dma_start3A_194 = arith.constant 0 : i32
        %dma_start3A_195 = tpu.memref_slice %arg3[%dma_start3A_190, %add3A, %add3A_189, %dma_start3A_194] : memref<2x32x125x80xi32, #tpu.memory_space<hbm>> -> memref<1x1x1x80xi32, #tpu.memory_space<hbm>>
        %dma_start3A_196 = tpu.memref_squeeze %dma_start3A_195 : memref<1x1x1x80xi32, #tpu.memory_space<hbm>> -> memref<80xi32, #tpu.memory_space<hbm>>
        tpu.enqueue_dma source(%dma_start3A_196 : memref<80xi32, #tpu.memory_space<hbm>>) target(%arg13 : memref<80xi32, #tpu.memory_space<vmem>>) target_semaphore(%arg18 : memref<!tpu.dma_semaphore, #tpu.memory_space<semaphore_mem>>)
        %dma_start3A_197 = arith.constant 1 : i32
        %dma_start3A_198 = arith.constant 0 : i32
        %dma_start3A_199 = tpu.memref_slice %arg3[%dma_start3A_197, %add3A, %add3A_189, %dma_start3A_198] : memref<2x32x125x80xi32, #tpu.memory_space<hbm>> -> memref<1x1x1x80xi32, #tpu.memory_space<hbm>>
        %dma_start3A_200 = tpu.memref_squeeze %dma_start3A_199 : memref<1x1x1x80xi32, #tpu.memory_space<hbm>> -> memref<80xi32, #tpu.memory_space<hbm>>
        %dma_start3A_201 = arith.constant 0 : i32
        %dma_start3A_202 = tpu.memref_slice %arg3[%dma_start3A_197, %add3A, %add3A_189, %dma_start3A_201] : memref<2x32x125x80xi32, #tpu.memory_space<hbm>> -> memref<1x1x1x80xi32, #tpu.memory_space<hbm>>
        %dma_start3A_203 = tpu.memref_squeeze %dma_start3A_202 : memref<1x1x1x80xi32, #tpu.memory_space<hbm>> -> memref<80xi32, #tpu.memory_space<hbm>>
        tpu.enqueue_dma source(%dma_start3A_203 : memref<80xi32, #tpu.memory_space<hbm>>) target(%arg14 : memref<80xi32, #tpu.memory_space<vmem>>) target_semaphore(%arg18 : memref<!tpu.dma_semaphore, #tpu.memory_space<semaphore_mem>>)
      } else {
      }
    }
    %scan3A_90 = arith.constant 62 : i32
    %dma_wait3A_91 = arith.constant 0 : i32
    %dma_wait3A_92 = arith.constant 0 : i32
    %dma_wait3A_93 = tpu.memref_slice %arg2[%dma_wait3A_91, %dma_wait3A_92] : memref<10000x128xf32, #tpu.memory_space<hbm>> -> memref<80x128xf32, #tpu.memory_space<hbm>>
    %dma_wait3A_94 = arith.constant 0 : i32
    %dma_wait3A_95 = arith.constant 0 : i32
    %dma_wait3A_96 = tpu.memref_slice %arg2[%dma_wait3A_94, %dma_wait3A_95] : memref<10000x128xf32, #tpu.memory_space<hbm>> -> memref<80x128xf32, #tpu.memory_space<hbm>>
    tpu.wait_dma2 semaphore(%arg19 : memref<!tpu.dma_semaphore, #tpu.memory_space<semaphore_mem>>) src(%dma_wait3A_96 : memref<80x128xf32, #tpu.memory_space<hbm>>) dst(%arg9 : memref<80x128xf32, #tpu.memory_space<vmem>>)
    "tpu.region"() ({
      %run_scoped3A = tpu.sem_alloc : memref<!tpu.dma_semaphore, #tpu.memory_space<semaphore_mem>>
      %dma_start3A_111 = arith.constant 0 : i32
      %dma_start3A_112 = arith.constant 0 : i32
      %dma_start3A_113 = tpu.memref_slice %arg6[%dma_start3A_111, %dma_start3A_112] : memref<10016x128xf32, #tpu.memory_space<vmem_shared>> -> memref<10016x128xf32, #tpu.memory_space<vmem_shared>>
      tpu.enqueue_indirect_dma source(%arg9 : memref<80x128xf32, #tpu.memory_space<vmem>>) target(%dma_start3A_113 : memref<10016x128xf32, #tpu.memory_space<vmem_shared>>) offsets(%arg12 : memref<80xi32, #tpu.memory_space<vmem>>) semaphore(%run_scoped3A : memref<!tpu.dma_semaphore, #tpu.memory_space<semaphore_mem>>) {add = true}
      %dma_wait3A_114 = arith.constant 0 : i32
      %dma_wait3A_115 = arith.constant 0 : i32
      %dma_wait3A_116 = tpu.memref_slice %arg6[%dma_wait3A_114, %dma_wait3A_115] : memref<10016x128xf32, #tpu.memory_space<vmem_shared>> -> memref<10016x128xf32, #tpu.memory_space<vmem_shared>>
      tpu.wait_indirect_dma semaphore(%run_scoped3A : memref<!tpu.dma_semaphore, #tpu.memory_space<semaphore_mem>>) src(%arg9 : memref<80x128xf32, #tpu.memory_space<vmem>>) dst(%dma_wait3A_116 : memref<10016x128xf32, #tpu.memory_space<vmem_shared>>)
      tpu.yield
    }) : () -> ()
    "tpu.region"() ({
      %run_scoped3A = tpu.sem_alloc : memref<!tpu.dma_semaphore, #tpu.memory_space<semaphore_mem>>
      %dma_start3A_111 = arith.constant 0 : i32
      %dma_start3A_112 = tpu.memref_slice %arg7[%dma_start3A_111] : memref<10016xf32, #tpu.memory_space<vmem_shared>> -> memref<10016xf32, #tpu.memory_space<vmem_shared>>
      tpu.enqueue_indirect_dma source(%arg15 : memref<80xf32, #tpu.memory_space<vmem>>) target(%dma_start3A_112 : memref<10016xf32, #tpu.memory_space<vmem_shared>>) offsets(%arg12 : memref<80xi32, #tpu.memory_space<vmem>>) semaphore(%run_scoped3A : memref<!tpu.dma_semaphore, #tpu.memory_space<semaphore_mem>>) {add = true}
      %dma_wait3A_113 = arith.constant 0 : i32
      %dma_wait3A_114 = tpu.memref_slice %arg7[%dma_wait3A_113] : memref<10016xf32, #tpu.memory_space<vmem_shared>> -> memref<10016xf32, #tpu.memory_space<vmem_shared>>
      tpu.wait_indirect_dma semaphore(%run_scoped3A : memref<!tpu.dma_semaphore, #tpu.memory_space<semaphore_mem>>) src(%arg15 : memref<80xf32, #tpu.memory_space<vmem>>) dst(%dma_wait3A_114 : memref<10016xf32, #tpu.memory_space<vmem_shared>>)
      tpu.yield
    }) : () -> ()
    %barrier3A_97 = arith.constant 0 : index
    tpu.barrier barrier_id(%barrier3A_97)
    %mul3A_98 = arith.constant 10000 : i32
    %mul3A_99 = arith.muli %arg0, %mul3A_98 : i32
    %add3A_100 = arith.addi %mul3A_99, %mul3A_45 : i32
    "tpu.region"() ({
      %run_scoped3A = tpu.sem_alloc : memref<!tpu.dma_semaphore, #tpu.memory_space<semaphore_mem>>
      %dma_start3A_111 = arith.constant 0 : i32
      %dma_start3A_112 = tpu.memref_slice %arg4[%add3A_100, %dma_start3A_111] : memref<20000x128xf32, #tpu.memory_space<hbm>> -> memref<624x128xf32, #tpu.memory_space<hbm>>
      %dma_start3A_113 = arith.constant 0 : i32
      %dma_start3A_114 = tpu.memref_slice %arg6[%mul3A_45, %dma_start3A_113] : memref<10016x128xf32, #tpu.memory_space<vmem_shared>> -> memref<624x128xf32, #tpu.memory_space<vmem_shared>>
      tpu.enqueue_dma source(%dma_start3A_114 : memref<624x128xf32, #tpu.memory_space<vmem_shared>>) target(%dma_start3A_112 : memref<624x128xf32, #tpu.memory_space<hbm>>) target_semaphore(%run_scoped3A : memref<!tpu.dma_semaphore, #tpu.memory_space<semaphore_mem>>)
      %dma_wait3A_115 = arith.constant 0 : i32
      %dma_wait3A_116 = tpu.memref_slice %arg4[%add3A_100, %dma_wait3A_115] : memref<20000x128xf32, #tpu.memory_space<hbm>> -> memref<624x128xf32, #tpu.memory_space<hbm>>
      %dma_wait3A_117 = arith.constant 0 : i32
      %dma_wait3A_118 = tpu.memref_slice %arg6[%mul3A_45, %dma_wait3A_117] : memref<10016x128xf32, #tpu.memory_space<vmem_shared>> -> memref<624x128xf32, #tpu.memory_space<vmem_shared>>
      tpu.wait_dma2 semaphore(%run_scoped3A : memref<!tpu.dma_semaphore, #tpu.memory_space<semaphore_mem>>) src(%dma_wait3A_118 : memref<624x128xf32, #tpu.memory_space<vmem_shared>>) dst(%dma_wait3A_116 : memref<624x128xf32, #tpu.memory_space<hbm>>)
      tpu.yield
    }) : () -> ()
    %eq3A_101 = arith.constant 15 : i32
    %eq3A_102 = arith.cmpi eq, %arg1, %eq3A_101 : i32
    %convert_element_type3A_103 = arith.extui %eq3A_102 : i1 to i32
    %cond3A_104 = arith.constant 0 : i32
    %cond3A_105 = arith.cmpi ne, %convert_element_type3A_103, %cond3A_104 : i32
    scf.if %cond3A_105 {
      %add3A_111 = arith.constant 9984 : i32
      %add3A_112 = arith.addi %mul3A_99, %add3A_111 : i32
      "tpu.region"() ({
        %run_scoped3A = tpu.sem_alloc : memref<!tpu.dma_semaphore, #tpu.memory_space<semaphore_mem>>
        %dma_start3A_113 = arith.constant 0 : i32
        %dma_start3A_114 = tpu.memref_slice %arg4[%add3A_112, %dma_start3A_113] : memref<20000x128xf32, #tpu.memory_space<hbm>> -> memref<16x128xf32, #tpu.memory_space<hbm>>
        %dma_start3A_115 = arith.constant 9984 : i32
        %dma_start3A_116 = arith.constant 0 : i32
        %dma_start3A_117 = tpu.memref_slice %arg6[%dma_start3A_115, %dma_start3A_116] : memref<10016x128xf32, #tpu.memory_space<vmem_shared>> -> memref<16x128xf32, #tpu.memory_space<vmem_shared>>
        tpu.enqueue_dma source(%dma_start3A_117 : memref<16x128xf32, #tpu.memory_space<vmem_shared>>) target(%dma_start3A_114 : memref<16x128xf32, #tpu.memory_space<hbm>>) target_semaphore(%run_scoped3A : memref<!tpu.dma_semaphore, #tpu.memory_space<semaphore_mem>>)
        %dma_wait3A_118 = arith.constant 0 : i32
        %dma_wait3A_119 = tpu.memref_slice %arg4[%add3A_112, %dma_wait3A_118] : memref<20000x128xf32, #tpu.memory_space<hbm>> -> memref<16x128xf32, #tpu.memory_space<hbm>>
        %dma_wait3A_120 = arith.constant 9984 : i32
        %dma_wait3A_121 = arith.constant 0 : i32
        %dma_wait3A_122 = tpu.memref_slice %arg6[%dma_wait3A_120, %dma_wait3A_121] : memref<10016x128xf32, #tpu.memory_space<vmem_shared>> -> memref<16x128xf32, #tpu.memory_space<vmem_shared>>
        tpu.wait_dma2 semaphore(%run_scoped3A : memref<!tpu.dma_semaphore, #tpu.memory_space<semaphore_mem>>) src(%dma_wait3A_122 : memref<16x128xf32, #tpu.memory_space<vmem_shared>>) dst(%dma_wait3A_119 : memref<16x128xf32, #tpu.memory_space<hbm>>)
        tpu.yield
      }) : () -> ()
    } else {
    }
    %eq3A_106 = arith.constant 0 : i32
    %eq3A_107 = arith.cmpi eq, %arg1, %eq3A_106 : i32
    %convert_element_type3A_108 = arith.extui %eq3A_107 : i1 to i32
    %cond3A_109 = arith.constant 0 : i32
    %cond3A_110 = arith.cmpi ne, %convert_element_type3A_108, %cond3A_109 : i32
    scf.if %cond3A_110 {
      %scan3A_111 = arith.constant 0 : i32
      %scan3A_112 = arith.constant 5 : i32
      %scan3A_113 = arith.addi %scan3A_111, %scan3A_112 : i32
      %scan3A_114 = arith.constant 1 : i32
      scf.for %scan3A_116 = %scan3A_111 to %scan3A_113 step %scan3A_114  : i32 {
        %mul3A_117 = arith.constant 2000 : i32
        %mul3A_118 = arith.muli %scan3A_116, %mul3A_117 : i32
        %add3A_119 = arith.constant 0 : i32
        %add3A_120 = arith.addi %add3A_119, %mul3A_118 : i32
        "tpu.region"() ({
          %run_scoped3A = tpu.sem_alloc : memref<!tpu.dma_semaphore, #tpu.memory_space<semaphore_mem>>
          %dma_start3A_122 = arith.constant 0 : i32
          %dma_start3A_123 = tpu.memref_slice %arg16[%dma_start3A_122] : memref<2504xf32, #tpu.memory_space<vmem>> -> memref<2000xf32, #tpu.memory_space<vmem>>
          %dma_start3A_124 = tpu.memref_slice %arg7[%add3A_120] : memref<10016xf32, #tpu.memory_space<vmem_shared>> -> memref<2000xf32, #tpu.memory_space<vmem_shared>>
          %dma_start3A_125 = arith.constant 0 : i32
          %dma_start3A_126 = tpu.memref_slice %arg16[%dma_start3A_125] : memref<2504xf32, #tpu.memory_space<vmem>> -> memref<2000xf32, #tpu.memory_space<vmem>>
          %dma_start3A_127 = tpu.memref_slice %arg7[%add3A_120] : memref<10016xf32, #tpu.memory_space<vmem_shared>> -> memref<2000xf32, #tpu.memory_space<vmem_shared>>
          tpu.enqueue_dma source(%dma_start3A_127 : memref<2000xf32, #tpu.memory_space<vmem_shared>>) target(%dma_start3A_126 : memref<2000xf32, #tpu.memory_space<vmem>>) target_semaphore(%run_scoped3A : memref<!tpu.dma_semaphore, #tpu.memory_space<semaphore_mem>>)
          %dma_wait3A_128 = arith.constant 0 : i32
          %dma_wait3A_129 = tpu.memref_slice %arg16[%dma_wait3A_128] : memref<2504xf32, #tpu.memory_space<vmem>> -> memref<2000xf32, #tpu.memory_space<vmem>>
          %dma_wait3A_130 = tpu.memref_slice %arg7[%add3A_120] : memref<10016xf32, #tpu.memory_space<vmem_shared>> -> memref<2000xf32, #tpu.memory_space<vmem_shared>>
          %dma_wait3A_131 = arith.constant 0 : i32
          %dma_wait3A_132 = tpu.memref_slice %arg16[%dma_wait3A_131] : memref<2504xf32, #tpu.memory_space<vmem>> -> memref<2000xf32, #tpu.memory_space<vmem>>
          %dma_wait3A_133 = tpu.memref_slice %arg7[%add3A_120] : memref<10016xf32, #tpu.memory_space<vmem_shared>> -> memref<2000xf32, #tpu.memory_space<vmem_shared>>
          tpu.wait_dma2 semaphore(%run_scoped3A : memref<!tpu.dma_semaphore, #tpu.memory_space<semaphore_mem>>) src(%dma_wait3A_133 : memref<2000xf32, #tpu.memory_space<vmem_shared>>) dst(%dma_wait3A_132 : memref<2000xf32, #tpu.memory_space<vmem>>)
          tpu.yield
        }) : () -> ()
        %add3A_121 = arith.addi %mul3A_99, %add3A_120 : i32
        "tpu.region"() ({
          %run_scoped3A = tpu.sem_alloc : memref<!tpu.dma_semaphore, #tpu.memory_space<semaphore_mem>>
          %dma_start3A_122 = arith.constant 0 : i32
          %dma_start3A_123 = tpu.memref_slice %arg16[%dma_start3A_122] : memref<2504xf32, #tpu.memory_space<vmem>> -> memref<2000xf32, #tpu.memory_space<vmem>>
          %dma_start3A_124 = tpu.memref_slice %arg5[%add3A_121] : memref<20000xf32, #tpu.memory_space<hbm>> -> memref<2000xf32, #tpu.memory_space<hbm>>
          %dma_start3A_125 = tpu.memref_slice %arg5[%add3A_121] : memref<20000xf32, #tpu.memory_space<hbm>> -> memref<2000xf32, #tpu.memory_space<hbm>>
          %dma_start3A_126 = arith.constant 0 : i32
          %dma_start3A_127 = tpu.memref_slice %arg16[%dma_start3A_126] : memref<2504xf32, #tpu.memory_space<vmem>> -> memref<2000xf32, #tpu.memory_space<vmem>>
          tpu.enqueue_dma source(%dma_start3A_127 : memref<2000xf32, #tpu.memory_space<vmem>>) target(%dma_start3A_125 : memref<2000xf32, #tpu.memory_space<hbm>>) target_semaphore(%run_scoped3A : memref<!tpu.dma_semaphore, #tpu.memory_space<semaphore_mem>>)
          %dma_wait3A_128 = arith.constant 0 : i32
          %dma_wait3A_129 = tpu.memref_slice %arg16[%dma_wait3A_128] : memref<2504xf32, #tpu.memory_space<vmem>> -> memref<2000xf32, #tpu.memory_space<vmem>>
          %dma_wait3A_130 = tpu.memref_slice %arg5[%add3A_121] : memref<20000xf32, #tpu.memory_space<hbm>> -> memref<2000xf32, #tpu.memory_space<hbm>>
          %dma_wait3A_131 = tpu.memref_slice %arg5[%add3A_121] : memref<20000xf32, #tpu.memory_space<hbm>> -> memref<2000xf32, #tpu.memory_space<hbm>>
          %dma_wait3A_132 = arith.constant 0 : i32
          %dma_wait3A_133 = tpu.memref_slice %arg16[%dma_wait3A_132] : memref<2504xf32, #tpu.memory_space<vmem>> -> memref<2000xf32, #tpu.memory_space<vmem>>
          tpu.wait_dma2 semaphore(%run_scoped3A : memref<!tpu.dma_semaphore, #tpu.memory_space<semaphore_mem>>) src(%dma_wait3A_133 : memref<2000xf32, #tpu.memory_space<vmem>>) dst(%dma_wait3A_131 : memref<2000xf32, #tpu.memory_space<hbm>>)
          tpu.yield
        }) : () -> ()
      }
      %scan3A_115 = arith.constant 5 : i32
    } else {
    }
    return
  }
}

module attributes {stable_mosaic.version = 14 : i64} {
  func.func @body(%arg0: i32, %arg1: memref<2x1000x128xf32, #tpu.memory_space<vmem>>, %arg2: memref<2x1000x1xf32, #tpu.memory_space<vmem>>, %arg3: memref<128x128xf32, #tpu.memory_space<vmem>>, %arg4: memref<1x128xf32, #tpu.memory_space<vmem>>, %arg5: memref<1000x128xf32, #tpu.memory_space<vmem>>) attributes {dimension_semantics = [#tpu.dimension_semantics<arbitrary>], iteration_bounds = array<i64: 10>, scalar_prefetch = 0 : i64, scratch_operands = 0 : i64, tpu.core_type = #tpu.core_type<tc>, window_params = [{transform_indices = @transform_0, window_bounds = array<i64: 2, 1000, 128>}, {transform_indices = @transform_1, window_bounds = array<i64: 2, 1000, 1>}, {pipeline_mode = #tpu.pipeline_mode<synchronous>, transform_indices = @transform_2, window_bounds = array<i64: 128, 128>}, {pipeline_mode = #tpu.pipeline_mode<synchronous>, transform_indices = @transform_3, window_bounds = array<i64: 1, 128>}, {transform_indices = @transform_4, window_bounds = array<i64: 1000, 128>}]} {
    %get3A = arith.constant 0 : index
    %get3A_0 = arith.constant 0 : index
    %get3A_1 = arith.constant 0 : index
    %get3A_2 = vector.load %arg1[%get3A, %get3A_0, %get3A_1] : memref<2x1000x128xf32, #tpu.memory_space<vmem>>, vector<1x1000x128xf32>
    %get3A_3 = vector.shape_cast %get3A_2 : vector<1x1000x128xf32> to vector<1000x128xf32>
    %get3A_4 = arith.constant 1 : index
    %get3A_5 = arith.constant 0 : index
    %get3A_6 = arith.constant 0 : index
    %get3A_7 = vector.load %arg1[%get3A_4, %get3A_5, %get3A_6] : memref<2x1000x128xf32, #tpu.memory_space<vmem>>, vector<1x1000x128xf32>
    %get3A_8 = vector.shape_cast %get3A_7 : vector<1x1000x128xf32> to vector<1000x128xf32>
    %add3A = arith.addf %get3A_3, %get3A_8 : vector<1000x128xf32>
    %get3A_9 = arith.constant 0 : index
    %get3A_10 = arith.constant 0 : index
    %get3A_11 = arith.constant 0 : index
    %get3A_12 = vector.load %arg2[%get3A_9, %get3A_10, %get3A_11] : memref<2x1000x1xf32, #tpu.memory_space<vmem>>, vector<1x1000x1xf32>
    %get3A_13 = vector.shape_cast %get3A_12 : vector<1x1000x1xf32> to vector<1000x1xf32>
    %get3A_14 = arith.constant 1 : index
    %get3A_15 = arith.constant 0 : index
    %get3A_16 = arith.constant 0 : index
    %get3A_17 = vector.load %arg2[%get3A_14, %get3A_15, %get3A_16] : memref<2x1000x1xf32, #tpu.memory_space<vmem>>, vector<1x1000x1xf32>
    %get3A_18 = vector.shape_cast %get3A_17 : vector<1x1000x1xf32> to vector<1000x1xf32>
    %add3A_19 = arith.addf %get3A_13, %get3A_18 : vector<1000x1xf32>
    %max3A = arith.constant 1.000000e+00 : f32
    %max3A_20 = vector.broadcast %max3A : f32 to vector<1000x1xf32>
    %max3A_21 = arith.maximumf %add3A_19, %max3A_20 : vector<1000x1xf32>
    %div3A = arith.constant 1.000000e+00 : f32
    %div3A_22 = vector.broadcast %div3A : f32 to vector<1000x1xf32>
    %div3A_23 = arith.divf %div3A_22, %max3A_21 : vector<1000x1xf32>
    %min3A = arith.constant 1.000000e+00 : f32
    %min3A_24 = vector.broadcast %min3A : f32 to vector<1000x1xf32>
    %min3A_25 = arith.minimumf %add3A_19, %min3A_24 : vector<1000x1xf32>
    %mul3A = vector.broadcast %div3A_23 : vector<1000x1xf32> to vector<1000x128xf32>
    %mul3A_26 = arith.mulf %add3A, %mul3A : vector<1000x128xf32>
    %get3A_27 = arith.constant 0 : index
    %get3A_28 = arith.constant 0 : index
    %get3A_29 = vector.load %arg3[%get3A_27, %get3A_28] : memref<128x128xf32, #tpu.memory_space<vmem>>, vector<128x128xf32>
    %dot_general3A = arith.constant dense<0.000000e+00> : vector<1000x128xf32>
    %dot_general3A_30 = tpu.matmul %mul3A_26, %get3A_29, %dot_general3A {dimension_numbers = #tpu.dot_dimension_numbers<[1], [1], [0], [0], [0, 0, 1, 0], [], []>, transpose_lhs_hint = false} : vector<1000x128xf32>, vector<128x128xf32>, vector<1000x128xf32> -> vector<1000x128xf32>
    %get3A_31 = arith.constant 0 : index
    %get3A_32 = arith.constant 0 : index
    %get3A_33 = vector.load %arg4[%get3A_31, %get3A_32] : memref<1x128xf32, #tpu.memory_space<vmem>>, vector<1x128xf32>
    %mul3A_34 = vector.broadcast %get3A_33 : vector<1x128xf32> to vector<1000x128xf32>
    %mul3A_35 = vector.broadcast %min3A_25 : vector<1000x1xf32> to vector<1000x128xf32>
    %mul3A_36 = arith.mulf %mul3A_34, %mul3A_35 : vector<1000x128xf32>
    %add3A_37 = arith.addf %dot_general3A_30, %mul3A_36 : vector<1000x128xf32>
    %swap3A = arith.constant 0 : index
    %swap3A_38 = arith.constant 0 : index
    %swap3A_39 = vector.load %arg5[%swap3A, %swap3A_38] : memref<1000x128xf32, #tpu.memory_space<vmem>>, vector<1000x128xf32>
    tpu.vector_store %arg5[%swap3A, %swap3A_38], %add3A_37 {strides = array<i32>} : memref<1000x128xf32, #tpu.memory_space<vmem>>, vector<1000x128xf32>,
    return
  }
  func.func @transform_0(%arg0: i32) -> (i32, i32, i32) {
    %c0_i32 = arith.constant 0 : i32
    %c0_i32_0 = arith.constant 0 : i32
    %c0_i32_1 = arith.constant 0 : i32
    return %c0_i32, %arg0, %c0_i32_0 : i32, i32, i32
  }
  func.func @transform_1(%arg0: i32) -> (i32, i32, i32) {
    %c0_i32 = arith.constant 0 : i32
    %c0_i32_0 = arith.constant 0 : i32
    %c0_i32_1 = arith.constant 0 : i32
    return %c0_i32, %arg0, %c0_i32_0 : i32, i32, i32
  }
  func.func @transform_2(%arg0: i32) -> (i32, i32) {
    %c0_i32 = arith.constant 0 : i32
    %c0_i32_0 = arith.constant 0 : i32
    %c0_i32_1 = arith.constant 0 : i32
    return %c0_i32, %c0_i32_0 : i32, i32
  }
  func.func @transform_3(%arg0: i32) -> (i32, i32) {
    %c0_i32 = arith.constant 0 : i32
    %c0_i32_0 = arith.constant 0 : i32
    %c0_i32_1 = arith.constant 0 : i32
    return %c0_i32, %c0_i32_0 : i32, i32
  }
  func.func @transform_4(%arg0: i32) -> (i32, i32) {
    %c0_i32 = arith.constant 0 : i32
    %c0_i32_0 = arith.constant 0 : i32
    return %arg0, %c0_i32 : i32, i32
  }
}

</mosaic_0001>

<sc_bundles>
// kernel: kernel.4.cloned.1.call-start
scs
__scs_entry_jumppad:
0x0: {  	(pc) =	sbr.rel $0x88, $3  }
0x1: {  	(tag) =	ssettag $0x0;
	lr =	simm.s32 $0x1  }
0x2: {  	[smem:$0x3F9D] =	sst lr;
	_ =	strace $0xD0000000  }
0x3: {  	_ = 	snop  }
0x4: {  	_ = 	snop  }
0x5: {  	_ = 	snop  }
0x6: {  	_ = 	snop  }
0x7: {  	_ = 	snop  }
__scs_overlays_trampoline_lowered:
0x8: {  	[smem:$0x3FAC] =	sst s0  }
0x9: {  	[smem:$0x3FAD] =	sst s1  }
0xa: {  	[smem:$0x3FAE] =	sst s2  }
0xb: {  	[smem:$0x3FAF] =	sst s3  }
0xc: {  	[smem:$0x3FB0] =	sst s4  }
0xd: {  	[smem:$0x3FB1] =	sst s5  }
0xe: {  	[smem:$0x3FB2] =	sst s6  }
0xf: {  	[smem:$0x3FB3] =	sst s7  }
0x10: {  	[smem:$0x3FB4] =	sst s8  }
0x11: {  	[smem:$0x3FB5] =	sst s9;
	s0 =	simm.s32 @!p0 $0x0  }
0x12: {  	s1 =	sld [smem:$0x3F9B];
	s0 =	simm.s32 @p0 $0x1  }
0x13: {  	[smem:$0x3FB6] =	sst s0;
	s0 =	simm.s32 @!p1 $0x0  }
0x14: {  	s2 =	sld [smem:$0x3F9A];
	s0 =	simm.s32 @p1 $0x1  }
0x15: {  	[smem:$0x3FB7] =	sst s0;
	s0 =	simm.s32 @!p2 $0x0  }
0x16: {  	s3 =	sld [smem:$0x3FDB];
	s0 =	simm.s32 @p2 $0x1  }
0x17: {  	s4 =	simm.s32 $0x1BF5;
	[smem:$0x3FB9] =	sst s0  }
0x18: {  	s0 =	sld [smem:$0x3F9C];
	_ =	swait.ge [sflag:s4], $0x0  }
0x19: {  	s7 =	sld [smem:$0x3F9D]  }
0x1a: {  	s8 =	sadd.s32 $0xFFFFE003, lr  }
0x1b: {  	s9 =	sadd.s32 $0xFFFFFEF7, lr;
	s5 =	simm.s32 $0xFFFFFFFF;
	p2 =	slt.u32 s8, $0xFFFFF086  }
0x1c: {  	p1 =	slt.u32 s9, $0xF7A;
	s5 =	simm.s32 @!p2 $0x0  }
0x1d: {  	s5 =	simm.s32 @p1 $0x1;
	p0 =	seq.s32 s7, s2  }
0x1e: {  	s7 =	smul.u32 @!p0 $0xF7A, s2;
	p2 =	seq.s32 @!p0 s5, $0x0  }
0x1f: {  	s9 =	smul.u32 $0xF7A, s1;
	s8 =	simm.s32 @!p0 $0x1BF5;
	p2 =	por !p2, p0  }
0x20: {  	[sflag:s8] =	ssyncset.s32 @!p0 $0xFFFFF086;
	s6 =	sadd.s32 @!p0 s3, s7;
	s7 =	simm.s32 @!p0 $0x108  }
0x21: {  	s3 =	sadd.s32 s3, s9;
	s6 =	sadd.s32 @!p0 $0x88, s6;
	s7 =	simm.s32 @p2 $0x1082  }
0x22: {  	[simem:s7], [sflag:s8] =	dma.local @!p0 [hbm:s6], $0xF7A  }
0x23: {  	s9 =	sor.u32 $0xD0000000, s2;
	s6 =	simm.s32 $0x108;
	_ =	swait.ge @!p0 [sflag:s8], $0x0  }
0x24: {  	s3 =	sadd.s32 $0x88, s3;
	s6 =	simm.s32 @!p1 $0x1082;
	[sflag:s4] =	ssyncset.s32 $0xFFFFF086  }
0x25: {  	[simem:s6], [sflag:s4] =	dma.local [hbm:s3], $0xF7A  }
0x26: {  	[smem:$0x3F9D] =	sst s1;
	(tag) =	ssettag s2;
	_ =	strace s9  }
0x27: {  	s1 =	sld [smem:$0x3FAD]  }
0x28: {  	s2 =	sld [smem:$0x3FAE]  }
0x29: {  	s4 =	sld [smem:$0x3FB0]  }
0x2a: {  	p0 =	seq.s32 s5, $0x0;
	s5 =	sld [smem:$0x3FB1]  }
0x2b: {  	s6 =	sld [smem:$0x3FB2]  }
0x2c: {  	s7 =	sld [smem:$0x3FB3]  }
0x2d: {  	s3 =	simm.s32 $0x108;
	s8 =	sld [smem:$0x3FB4]  }
0x2e: {  	s3 =	simm.s32 @!p0 $0x1082;
	s9 =	sld [smem:$0x3FB5]  }
0x2f: {  	lr =	sadd.s32 s0, s3;
	s0 =	sld [smem:$0x3FAC]  }
0x30: {  	s3 =	sld [smem:$0x3FAF]  }
0x31: {  	[smem:$0x3FB8] =	sst s10  }
0x32: {  	s10 =	sld [smem:$0x3FB6];
	_ =	sdelay $0x3  }
0x33: {  	p0 =	seq.s32 s10, $0x1;
	s10 =	sld [smem:$0x3FB8];
	_ =	sdelay $0x3  }
0x34: {  	[smem:$0x3FB8] =	sst s10  }
0x35: {  	s10 =	sld [smem:$0x3FB7];
	_ =	sdelay $0x3  }
0x36: {  	p1 =	seq.s32 s10, $0x1;
	s10 =	sld [smem:$0x3FB8];
	_ =	sdelay $0x3  }
0x37: {  	[smem:$0x3FB8] =	sst s10  }
0x38: {  	s10 =	sld [smem:$0x3FB9]  }
0x39: {  	_ = 	snop;
	(pc) =	sbr.ind lr, $3  }
0x3a: {  	_ = 	snop  }
0x3b: {  	_ = 	snop  }
0x3c: {  	p2 =	seq.s32 s10, $0x1;
	s10 =	sld [smem:$0x3FB8]  }
0x3d: {  	_ =	shalt  }
0x3e: {  	_ =	shalt  }
0x3f: {  	_ =	shalt  }
0x40: {  	_ =	shalt  }
0x41: {  	_ =	shalt  }
0x42: {  	_ =	shalt  }
0x43: {  	_ =	shalt  }
0x44: {  	_ =	shalt  }
0x45: {  	_ =	shalt  }
0x46: {  	_ =	shalt  }
0x47: {  	_ =	shalt  }
0x48: {  	_ =	shalt  }
0x49: {  	_ =	shalt  }
0x4a: {  	_ =	shalt  }
0x4b: {  	_ =	shalt  }
0x4c: {  	_ =	shalt  }
0x4d: {  	_ =	shalt  }
0x4e: {  	_ =	shalt  }
0x4f: {  	_ =	shalt  }
0x50: {  	_ =	shalt  }
0x51: {  	_ =	shalt  }
0x52: {  	_ =	shalt  }
0x53: {  	_ =	shalt  }
0x54: {  	_ =	shalt  }
0x55: {  	_ =	shalt  }
0x56: {  	_ =	shalt  }
0x57: {  	_ =	shalt  }
0x58: {  	_ =	shalt  }
0x59: {  	_ =	shalt  }
0x5a: {  	_ =	shalt  }
0x5b: {  	_ =	shalt  }
0x5c: {  	_ =	shalt  }
0x5d: {  	_ =	shalt  }
0x5e: {  	_ =	shalt  }
0x5f: {  	_ =	shalt  }
0x60: {  	_ =	shalt  }
0x61: {  	_ =	shalt  }
0x62: {  	_ =	shalt  }
0x63: {  	_ =	shalt  }
0x64: {  	_ =	shalt  }
0x65: {  	_ =	shalt  }
0x66: {  	_ =	shalt  }
0x67: {  	_ =	shalt  }
0x68: {  	_ =	shalt  }
0x69: {  	_ =	shalt  }
0x6a: {  	_ =	shalt  }
0x6b: {  	_ =	shalt  }
0x6c: {  	_ =	shalt  }
0x6d: {  	_ =	shalt  }
0x6e: {  	_ =	shalt  }
0x6f: {  	_ =	shalt  }
0x70: {  	_ =	shalt  }
0x71: {  	_ =	shalt  }
0x72: {  	_ =	shalt  }
0x73: {  	_ =	shalt  }
0x74: {  	_ =	shalt  }
0x75: {  	_ =	shalt  }
0x76: {  	_ =	shalt  }
0x77: {  	_ =	shalt  }
0x78: {  	_ =	shalt  }
0x79: {  	_ =	shalt  }
0x7a: {  	_ =	shalt  }
0x7b: {  	_ =	shalt  }
0x7c: {  	_ =	shalt  }
0x7d: {  	_ =	shalt  }
0x7e: {  	_ =	shalt  }
0x7f: {  	_ =	shalt  }
0x80: {  	_ =	shalt  }
0x81: {  	_ =	shalt  }
0x82: {  	_ =	shalt  }
0x83: {  	_ =	shalt  }
0x84: {  	_ =	shalt  }
0x85: {  	_ =	shalt  }
0x86: {  	_ =	shalt  }
0x87: {  	_ =	shalt  }
.Lfunc_end0:
.L_simem_size_0:
called_computation_lowered:
.L_overlay_start_0:
0x88: {  	s2 =	sld [smem:$0x3FD9]  }
0x89: {  	s3 =	sld [smem:$0x3FFE];
	_ =	sdelay $0x1  }
0x8a: {  	s1 =	srdreg.scid  }
0x8b: {  	s0 =	sand.u32 $0x1, s1  }
0x8c: {  	s17 =	sshll.u32 s0, $0xA;
	s2 =	sadd.s32 s3, s2  }
0x8d: {  	s2 =	sadd.s32 s2, s17  }
0x8e: {  	[smem:$0x3FC4] =	sst s2  }
0x8f: {  	_ = 	snop  }
0x90: {  	s2 =	sld [smem:$0x3FC9]  }
0x91: {  	s18 =	sld [smem:$0x3FD0];
	(tm) =	ssettm $0x1  }
0x92: {  	s4 =	sld [smem:$0x3FFB];
	_ =	sdelay $0x3  }
0x93: {  	_ =	strace s4  }
0x94: {  	s4 =	sld [smem:$0x3FFC];
	_ =	sdelay $0x3  }
0x95: {  	_ =	strace s4  }
0x96: {  	s4 =	sld [smem:$0x3FFD];
	_ =	sdelay $0x3  }
0x97: {  	_ =	strace s4  }
0x98: {  	_ =	strace $0x8FFFFFFF  }
0x99: {  	s19 =	sld [smem:$0x3FDB];
	_ =	sdelay $0x1  }
0x9a: {  	s5 =	simm.s32 $_scs_section_size  }
0x9b: {  	s6 =	simm.s32 $_size__tile_overlayer_lowered;
	s7 =	simm.s32 $_tile_overlayer_lowered  }
0x9c: {  	s22 =	simm.s32 $0x1BFF;
	s21 =	sshll.u32 s7, $0x1;
	s4 =	sadd.s32 s5, s19  }
0x9d: {  	s8 =	simm.s32 $0x0;
	s20 =	sshll.u32 s6, $0x1;
	s6 =	sadd.s32 s21, s4  }
0x9e: {  	[timem:s8], [sflag:s22] =	dma.local [hbm:s6], s20  }
0x9f: {  	_ =	swait.ge [sflag:s22], s20  }
0xa0: {  	s5 =	ssub.s32 $0x0, s20;
	[sflag:s22] =	ssyncset.done $0x0  }
0xa1: {  	[sflag:s22] =	ssyncadd.s32 s5;
	_ =	sdelay $0x1  }
0xa2: {  	s23 =	simm.s32 $0x1B8B  }
0xa3: {  	_ =	swait.ge [sflag:s23], $0x1  }
0xa4: {  	[sflag:s23] =	ssyncset.done $0x0  }
0xa5: {  	s25 =	simm.s32 $0x1B8E;
	s24 =	sld [smem:$0x3FFE];
	[sflag:s23] =	ssyncadd.s32 $0xFFFFFFFF  }
0xa6: {  	s26 =	simm.s32 $execute0_lowered;
	[smem:$0x3FD2] =	sst s25  }
0xa7: {  	s6 =	sshll.u32 s26, $0x1;
	_ =	strace $0x80000046;
	[dreg:$0x1] =	wrdreg $0xFFFFFFFF  }
0xa8: {  	s28 =	simm.s32 $_size_execute0_lowered;
	s4 =	sadd.s32 s4, s6;
	[dreg:$0x0] =	wrdreg $0x0  }
0xa9: {  	s6 =	sshll.u32 s28, $0x1;
	[dreg:$0x2] =	wrdreg s4  }
0xaa: {  	[dreg:$0x3] =	wrdreg s6  }
0xab: {  	[dreg:$0x4] =	wrdreg $0xC0  }
0xac: {  	_ =	task [dreg:s8], $0x5FFFF  }
0xad: {  	[dreg:$0x1] =	wrdreg $0xFFFFFFFF  }
0xae: {  	[dreg:$0x0] =	wrdreg $0x60  }
0xaf: {  	[dreg:$0x2] =	wrdreg s2  }
0xb0: {  	[dreg:$0x3] =	wrdreg s18  }
0xb1: {  	[dreg:$0x4] =	wrdreg s24  }
0xb2: {  	[dreg:$0x5] =	wrdreg $0x0  }
0xb3: {  	[dreg:$0x6] =	wrdreg $0x139000  }
0xb4: {  	[dreg:$0x7] =	wrdreg $0x9  }
0xb5: {  	_ =	task.clear_ibuf [dreg:s8], $0x8FFFF;
	_ =	strace $0x90000046  }
0xb6: {  	s29 =	simm.s32 $0x9;
	_ =	strace $0x80000048  }
0xb7: {  	_ =	swait.ge [sflag:s29], $0x1  }
0xb8: {  	[sflag:s29] =	ssyncadd.s32 $0xFFFFFFFF  }
0xb9: {  	_ =	strace $0x90000048  }
0xba: {  	_ =	sfence  }
0xbb: {  	s30 =	sld [smem:$0x0];
	_ =	sdelay $0x2  }
0xbc: {  	s31 =	sshll.u32 s1, $0xD;
	s1 =	sshrl.u32 s1, $0x2  }
0xbd: {  	s3 =	sand.u32 $0x4000, s31;
	s1 =	sadd.s32 s1, s30  }
0xbe: {  	s0 =	sor.u32 s3, s0;
	s1 =	sshll.u32 s1, $0x11  }
0xbf: {  	s0 =	sor.u32 s1, s0  }
0xc0: {  	s0 =	sadd.s32 $0x8F2B, s0  }
0xc1: {  	[sflag:s0] =	ssyncadd.remote.s32 $0x1  }
0xc2: {  	_ =	sfence.sel $0xFFFF  }
0xc3: {  	[dreg:$0x0] =	wrdreg $0xFFFFFFFF;
	(pc) =	sbr.abs _section_cstart, $3  }
0xc4: {  	[dreg:$0x1] =	wrdreg $0xFFFFFFFF  }
0xc5: {  	_ =	task.clear_ibuf [dreg:s8], $0x2FFFF;
	_ =	strace $0x9FFFFFFF  }
0xc6: {  	(tm) =	ssettm $0x7FFFFFFF  }
0xc7: {  	_ =	shalt  }
tec
execute0_lowered:
.L_overlay_start_1:
0x0: {  	(tag) =	ssettag $0x1  }
0x1: {  	s1 =	rddreg [dreg:$0x0]  }
0x2: {  	s2 =	rddreg [dreg:$0x1]  }
0x3: {  	s0 =	rddreg [dreg:$0x2]  }
0x4: {  	s3 =	rddreg [dreg:$0x3]  }
0x5: {  	s4 =	rddreg [dreg:$0x4];
	s6 =	srdreg.scid  }
0x6: {  	s5 =	simm.s32 $0x0;
	s16 =	stileid.u32;
	s6 =	sand.u32 $0x1, s6  }
0x7: {  	[smem:$0x7FF] =	sst s5;
	s10 =	sadd.s32 $0x1800, s0;
	s25 =	smul.u32 $0x270, s16  }
0x8: {  	s11 =	sshll.u32 s16, $0xF;
	s15 =	smul.u32 $0x4E000, s16;
	p0 =	seq.s32 s16, $0x0  }
0x9: {  	p1 =	sne.s32 s16, $0xF;
	s30 =	sadd.s32 $0x1770, s4;
	s31 =	sadd.s32 $0x1F40, s4  }
0xa: {  	s9 =	smul.u32 $0x2710, s6;
	_ =	strace $0x80000047;
	s8 =	ssub.s32 $0x2, s6  }
0xb: {  	s12 =	sshll.u32 s6, $0xE;
	s6 =	smul.u32 $0x138800, s6;
	s13 =	sshrl.u32 s8, $0x1  }
0xc: {  	s7 =	sshrl.u32 s9, $0x3;
	s24 =	ssub.s32 s8, s13;
	s9 =	sadd.s32 s25, s9  }
0xd: {  	s6 =	sshrl.u32 s6, $0x3;
	s25 =	sadd.s32 $0x1390, s4;
	s0 =	sadd.s32 s7, s0  }
0xe: {  	s7 =	sor.u32 s12, s11;
	s11 =	smax.u32 s24, $0x1;
	[dreg:$0x18] =	wrdreg s25  }
0xf: {  	s9 =	sshll.u32 s9, $0x4;
	s24 =	sadd.s32 $0x9C8, s4;
	[dreg:$0xc] =	wrdreg s11  }
0x10: {  	s6 =	sadd.s32 s10, s6;
	s9 =	sadd.s32 s10, s9;
	[dreg:$0x17] =	wrdreg s24  }
0x11: {  	s16 =	simm.s32 $0x5;
	s6 =	sadd.s32 $0x27000, s6;
	[dreg:$0xa] =	wrdreg s9  }
0x12: {  	s29 =	sshrl.u32 s15, $0x2;
	s18 =	sadd.s32 $0xE00, s0;
	[dreg:$0xb] =	wrdreg s6  }
0x13: {  	s25 =	simm.s32 $0x0;
	s19 =	sadd.s32 $0xEFA, s0;
	[dreg:$0x10] =	wrdreg s18  }
0x14: {  	s8 =	sor.u32 $0x80000, s7;
	s20 =	sadd.s32 $0xFF4, s0;
	[dreg:$0x11] =	wrdreg s19  }
0x15: {  	s26 =	sshrl.u32 s7, $0x3;
	s21 =	sadd.s32 $0x10EE, s0;
	[dreg:$0x12] =	wrdreg s20  }
0x16: {  	s0 =	sadd.s32 $0x11E8, s0;
	s10 =	simm.s32 $0x1BFF8;
	[dreg:$0x13] =	wrdreg s21  }
0x17: {  	s11 =	simm.s32 $0x1C078;
	s13 =	sadd.s32 s2, s26;
	[dreg:$0x14] =	wrdreg s0  }
0x18: {  	s14 =	sshrl.u32 s8, $0x3;
	s26 =	sadd.s32 $0x1D58, s4;
	[dreg:$0x6] =	wrdreg s13  }
0x19: {  	s24 =	simm.s32 $0x4;
	s14 =	sadd.s32 s2, s14;
	[dreg:$0x19] =	wrdreg s26  }
0x1a: {  	s6 =	simm.s32 $0x1BF78;
	s28 =	sadd.s32 $0x10, s13;
	[dreg:$0x7] =	wrdreg s14  }
0x1b: {  	s18 =	simm.s32 $0x50;
	s13 =	sadd.s32 $0x10010, s13;
	[dreg:$0x8] =	wrdreg s28  }
0x1c: {  	s19 =	simm.s32 $0x16F78;
	[dreg:$0x9] =	wrdreg s13;
	s28 =	sadd.s32 $0x7D0, s4  }
0x1d: {  	s14 =	sadd.s32 s29, s3;
	s29 =	sadd.s32 $0xFA0, s4;
	[dreg:$0x1a] =	wrdreg s28  }
0x1e: {  	s20 =	simm.s32 $0x2;
	s12 =	sadd.s32 $0x3400, s14;
	[dreg:$0x1b] =	wrdreg s29  }
0x1f: {  	s21 =	simm.s32 $0x19778;
	s15 =	sadd.s32 $0x6800, s14;
	[dreg:$0xd] =	wrdreg s12  }
.Ltmp0:
0x20: {  	s17 =	sadd.s32 $0x9C00, s14;
	[dreg:$0xe] =	wrdreg s15;
	(pc) =	sbr.rel .LBB2_1-.Ltmp0, $4  }
0x21: {  	s9 =	simm.s32 $0x6;
	s22 =	sadd.s32 $0xD000, s14;
	[dreg:$0xf] =	wrdreg s17  }
0x22: {  	s13 =	sadd.s32 $0x138000, s3;
	s23 =	sadd.s32 $0x10400, s14;
	[dreg:$0x15] =	wrdreg s22  }
0x23: {  	[dreg:$0x16] =	wrdreg s23;
	s12 =	simm.s32 $0x1C0F8;
	s15 =	simm.s32 $0x13B78  }
0x24: {  	v0 =	vimm.f32 $0.0e+00;
	v1 =	vimm.f32 $1.000000000e+00;
	s17 =	simm.s32 $0x1;
	s22 =	simm.s32 $0x3;
	s23 =	simm.s32 $0x1C178  }
.LBB2_11:
0x25: {  	_ =	swait.ge [sflag:s22], $0x2800  }
0x26: {  	[sflag:s22] =	ssyncset.done $0x0  }
0x27: {  	[sflag:s22] =	ssyncadd.s32 $0xFFFFD800  }
0x28: {  	[spmem:s3] =	stream.indirect.scatter.add.f32 [tilespmem:s19], [sflag:$0x6], $0x80, s10, s18, $0xb8;
	[tilespmem:$0x1CBF8] =	vst v63  }
0x29: {  	_ =	swait.ge [sflag:s9], $0x2800  }
0x2a: {  	[sflag:s9] =	ssyncset.done $0x0  }
0x2b: {  	[sflag:s9] =	ssyncadd.s32 $0xFFFFD800  }
0x2c: {  	[spmem:s4] =	stream.indirect.scatter.add.f32 [tilespmem:s23], [sflag:$0x6], $0x1, s10, s18, $0xb8;
	[tilespmem:$0x1CBF8] =	vst v63  }
0x2d: {  	_ =	swait.ge [sflag:s9], $0x50  }
0x2e: {  	[sflag:s9] =	ssyncset.done $0x0  }
0x2f: {  	s0 =	stileid.u32;
	[sflag:s9] =	ssyncadd.s32 $0xFFFFFFB0  }
0x30: {  	s0 =	sshll.u32 s0, $0x6;
	[bflag:$0x0] =	sbarrier.arrive $0xFFFF  }
0x31: {  	s26 =	sshrl.u32 s14, $0x3;
	s0 =	sor.u32 $0x1C06, s0;
	s28 =	rddreg [dreg:$0xa]  }
0x32: {  	[hbm:s28], [sflag:s0] =	dma.local [spmem:s26], $0x2700  }
0x33: {  	_ =	swait.ge [sflag:s9], $0x2700  }
0x34: {  	[sflag:s9] =	ssyncset.done $0x0  }
0x35: {  	s26 =	sshrl.u32 @!p1 s13, $0x3;
	s28 =	rddreg [dreg:$0xb];
	[sflag:s9] =	ssyncadd.s32 $0xFFFFD900  }
0x36: {  	[hbm:s28], [sflag:s0] =	dma.local @!p1 [spmem:s26], $0x100  }
0x37: {  	s0 =	simm.s32 @!p1 $0x6  }
0x38: {  	_ =	swait.ge @!p1 [sflag:s0], $0x100  }
0x39: {  	[sflag:s0] =	ssyncset.done @!p1 $0x0  }
0x3a: {  	s26 =	simm.s32 @p2 $0x6;
	[sflag:s0] =	ssyncadd.s32 @!p1 $0xFFFFFF00;
	s0 =	simm.s32 @p2 $0x1C1F8  }
0x3b: {  	[tilespmem:s0], [sflag:$0x6] =	stream.linear.gather @p2 [spmem:s4], $0x7D0, $0x38;
	[tilespmem:$0x1CBF8] =	vst v63  }
0x3c: {  	_ =	swait.ge @p2 [sflag:s26], $0x7D0  }
0x3d: {  	[sflag:s26] =	ssyncset.done @p2 $0x0  }
0x3e: {  	s28 =	simm.s32 @p2 $0x0;
	s29 =	rddreg [dreg:$0x10];
	[sflag:s26] =	ssyncadd.s32 @p2 $0xFFFFF830  }
0x3f: {  	[hbm4b:s29+s28] =	stream.linear.scatter @p2 [tilespmem:s0], [sflag:$0x6], $0x7D0, $0x38;
	[tilespmem:$0x1CBF8] =	vst v63  }
0x40: {  	_ =	swait.ge @p2 [sflag:s26], $0x7D0  }
0x41: {  	[sflag:s26] =	ssyncset.done @p2 $0x0  }
0x42: {  	s29 =	rddreg [dreg:$0x1a];
	[sflag:s26] =	ssyncadd.s32 @p2 $0xFFFFF830  }
0x43: {  	[tilespmem:s0], [sflag:$0x6] =	stream.linear.gather @p2 [spmem:s29], $0x7D0, $0x38;
	[tilespmem:$0x1CBF8] =	vst v63  }
0x44: {  	_ =	swait.ge @p2 [sflag:s26], $0x7D0  }
0x45: {  	[sflag:s26] =	ssyncset.done @p2 $0x0  }
0x46: {  	s29 =	rddreg [dreg:$0x11];
	[sflag:s26] =	ssyncadd.s32 @p2 $0xFFFFF830  }
0x47: {  	[hbm4b:s29+s28] =	stream.linear.scatter @p2 [tilespmem:s0], [sflag:$0x6], $0x7D0, $0x38;
	[tilespmem:$0x1CBF8] =	vst v63  }
0x48: {  	_ =	swait.ge @p2 [sflag:s26], $0x7D0  }
0x49: {  	[sflag:s26] =	ssyncset.done @p2 $0x0  }
0x4a: {  	s29 =	rddreg [dreg:$0x1b];
	[sflag:s26] =	ssyncadd.s32 @p2 $0xFFFFF830  }
0x4b: {  	[tilespmem:s0], [sflag:$0x6] =	stream.linear.gather @p2 [spmem:s29], $0x7D0, $0x38;
	[tilespmem:$0x1CBF8] =	vst v63  }
0x4c: {  	_ =	swait.ge @p2 [sflag:s26], $0x7D0  }
0x4d: {  	[sflag:s26] =	ssyncset.done @p2 $0x0  }
0x4e: {  	s29 =	rddreg [dreg:$0x12];
	[sflag:s26] =	ssyncadd.s32 @p2 $0xFFFFF830  }
0x4f: {  	[hbm4b:s29+s28] =	stream.linear.scatter @p2 [tilespmem:s0], [sflag:$0x6], $0x7D0, $0x38;
	[tilespmem:$0x1CBF8] =	vst v63  }
0x50: {  	_ =	swait.ge @p2 [sflag:s26], $0x7D0  }
0x51: {  	[sflag:s26] =	ssyncset.done @p2 $0x0  }
0x52: {  	[sflag:s26] =	ssyncadd.s32 @p2 $0xFFFFF830  }
0x53: {  	[tilespmem:s0], [sflag:$0x6] =	stream.linear.gather @p2 [spmem:s30], $0x7D0, $0x38;
	[tilespmem:$0x1CBF8] =	vst v63  }
0x54: {  	_ =	swait.ge @p2 [sflag:s26], $0x7D0  }
0x55: {  	[sflag:s26] =	ssyncset.done @p2 $0x0  }
0x56: {  	s29 =	rddreg [dreg:$0x13];
	[sflag:s26] =	ssyncadd.s32 @p2 $0xFFFFF830  }
0x57: {  	[hbm4b:s29+s28] =	stream.linear.scatter @p2 [tilespmem:s0], [sflag:$0x6], $0x7D0, $0x38;
	[tilespmem:$0x1CBF8] =	vst v63  }
0x58: {  	_ =	swait.ge @p2 [sflag:s26], $0x7D0  }
0x59: {  	[sflag:s26] =	ssyncset.done @p2 $0x0  }
0x5a: {  	[sflag:s26] =	ssyncadd.s32 @p2 $0xFFFFF830  }
0x5b: {  	[tilespmem:s0], [sflag:$0x6] =	stream.linear.gather @p2 [spmem:s31], $0x7D0, $0x38;
	[tilespmem:$0x1CBF8] =	vst v63  }
0x5c: {  	_ =	swait.ge @p2 [sflag:s26], $0x7D0  }
0x5d: {  	[sflag:s26] =	ssyncset.done @p2 $0x0  }
0x5e: {  	s29 =	rddreg [dreg:$0x14];
	[sflag:s26] =	ssyncadd.s32 @p2 $0xFFFFF830  }
0x5f: {  	[hbm4b:s29+s28] =	stream.linear.scatter @p2 [tilespmem:s0], [sflag:$0x6], $0x7D0, $0x38;
	[tilespmem:$0x1CBF8] =	vst v63  }
0x60: {  	_ =	swait.ge @p2 [sflag:s26], $0x7D0  }
0x61: {  	s25 =	sadd.s32 $0x1, s25;
	s29 =	rddreg [dreg:$0xc]  }
0x62: {  	p3 =	sne.s32 s25, s29  }
.Ltmp1:
0x63: {  	_ = 	snop;
	(pc) =	sbr.rel @!p3 .LBB2_12-.Ltmp1, $3  }
0x64: {  	_ =	sdelay $0x1  }
0x65: {  	[sflag:s26] =	ssyncset.done @p2 $0x0  }
0x66: {  	[sflag:s26] =	ssyncadd.s32 @p2 $0xFFFFF830  }
.LBB2_1:
0x67: {  	s0 =	rddreg [dreg:$0x6]  }
0x68: {  	[tilespmem:s6], [sflag:$0x1] =	stream.linear.gather [hbm4b:s0+s5], $0x80, $0x38;
	[tilespmem:$0x1CBF8] =	vst v63  }
0x69: {  	s29 =	rddreg [dreg:$0x7]  }
0x6a: {  	[tilespmem:s10], [sflag:$0x1] =	stream.linear.gather [hbm4b:s29+s5], $0x80, $0x38;
	[tilespmem:$0x1CBF8] =	vst v63  }
0x6b: {  	s26 =	rddreg [dreg:$0x8]  }
0x6c: {  	[tilespmem:s11], [sflag:$0x2] =	stream.linear.gather [hbm4b:s26+s5], $0x80, $0x38;
	[tilespmem:$0x1CBF8] =	vst v63  }
0x6d: {  	s28 =	simm.s32 $0x3C0;
	s29 =	rddreg [dreg:$0x9];
	s26 =	simm.s32 $0x70  }
0x6e: {  	[tilespmem:s12], [sflag:$0x2] =	stream.linear.gather [hbm4b:s29+s5], $0x80, $0x38;
	[tilespmem:$0x1CBF8] =	vst v63  }
.LBB2_2:
0x6f: {  	p2 =	sne.s32 s28, $0xCFC0;
	[tilespmem:s26+$0x13B78] =	vst v0  }
0x70: {  	[tilespmem:s26+$0x13B08] =	vst v0  }
0x71: {  	[tilespmem:s26+$0x13B18] =	vst v0  }
.Ltmp2:
0x72: {  	[tilespmem:s26+$0x13B28] =	vst v0;
	(pc) =	sbr.rel @p2 .LBB2_2-.Ltmp2, $4  }
0x73: {  	[tilespmem:s26+$0x13B38] =	vst v0  }
0x74: {  	[tilespmem:s26+$0x13B48] =	vst v0  }
0x75: {  	[tilespmem:s26+$0x13B58] =	vst v0  }
0x76: {  	[tilespmem:s26+$0x13B68] =	vst v0;
	s26 =	sshra.s32 s28, $0x2;
	s28 =	sadd.s32 $0x200, s28  }
0x77: {  	[tilespmem:s26+$0x13B78] =	vst v0  }
0x78: {  	[tilespmem:s26+$0x13B08] =	vst v0  }
0x79: {  	[tilespmem:s26+$0x13B18] =	vst v0  }
0x7a: {  	[tilespmem:s26+$0x13B28] =	vst v0  }
0x7b: {  	[tilespmem:s26+$0x13B38] =	vst v0  }
0x7c: {  	[tilespmem:s26+$0x13B48] =	vst v0  }
0x7d: {  	[tilespmem:s26+$0x13B58] =	vst v0  }
0x7e: {  	[tilespmem:s26+$0x13B68] =	vst v0  }
0x7f: {  	[tilespmem:$0x1C178] =	vst v1  }
0x80: {  	[tilespmem:$0x1C188] =	vst v1  }
0x81: {  	[tilespmem:$0x1C198] =	vst v1  }
0x82: {  	[tilespmem:$0x1C1A8] =	vst v1  }
0x83: {  	[tilespmem:$0x1C1B8] =	vst v1  }
0x84: {  	[spmem:s14] =	stream.linear.scatter [tilespmem:s15], [sflag:$0x5], $0x3400, $0x38;
	[tilespmem:$0x1CBF8] =	vst v63  }
0x85: {  	s0 =	rddreg [dreg:$0xd]  }
0x86: {  	[spmem:s0] =	stream.linear.scatter [tilespmem:s15], [sflag:$0x5], $0x3400, $0x38;
	[tilespmem:$0x1CBF8] =	vst v63  }
0x87: {  	s29 =	rddreg [dreg:$0xe]  }
0x88: {  	[spmem:s29] =	stream.linear.scatter [tilespmem:s15], [sflag:$0x5], $0x3400, $0x38;
	[tilespmem:$0x1CBF8] =	vst v63  }
0x89: {  	s26 =	rddreg [dreg:$0xf]  }
0x8a: {  	[spmem:s26] =	stream.linear.scatter [tilespmem:s15], [sflag:$0x5], $0x3400, $0x38;
	[tilespmem:$0x1CBF8] =	vst v63  }
.Ltmp3:
0x8b: {  	_ = 	snop;
	(pc) =	sbr.rel @p0 .LBB2_5-.Ltmp3, $4  }
0x8c: {  	s28 =	rddreg [dreg:$0x15]  }
0x8d: {  	[spmem:s28] =	stream.linear.scatter [tilespmem:s15], [sflag:$0x5], $0x3400, $0x38;
	[tilespmem:$0x1CBF8] =	vst v63  }
0x8e: {  	s29 =	rddreg [dreg:$0x16]  }
0x8f: {  	[spmem:s29] =	stream.linear.scatter [tilespmem:s15], [sflag:$0x5], $0x3400, $0x38;
	[tilespmem:$0x1CBF8] =	vst v63  }
.Ltmp4:
0x90: {  	(pc) =	sbr.rel .LBB2_8-.Ltmp4, $4  }
0x91: {  	_ = 	snop  }
0x92: {  	s26 =	simm.s32 @!p1 $0x13B78;
	p3 =	por @!p1 $0x0, $0x0;
	p2 =	por $0x0, $0x0  }
0x93: {  	[spmem:s13] =	stream.linear.scatter @!p1 [tilespmem:s26], [sflag:$0x5], $0x1000, $0x38;
	[tilespmem:$0x1CBF8] =	vst v63  }
0x94: {  	p2 =	por @!p1 p3, p3  }
.LBB2_5:
0x95: {  	s26 =	simm.s32 $0x40;
	s28 =	simm.s32 $0x0  }
.LBB2_6:
0x96: {  	p2 =	sne.s32 s26, $0x2700;
	[tilespmem:s28+$0x1C1F8] =	vst v0;
	s28 =	smov.u32 s26;
	s26 =	sadd.s32 $0x40, s26  }
.Ltmp5:
0x97: {  	(pc) =	sbr.rel @p2 .LBB2_6-.Ltmp5, $2  }
0x98: {  	_ =	sdelay $0x2  }
0x99: {  	s28 =	sshra.s32 s28, $0x2  }
0x9a: {  	[tilespmem:s28+$0x1C1F8] =	vst v0;
	s26 =	simm.s32 $0x1C1F8  }
0x9b: {  	[spmem:s4] =	stream.linear.scatter [tilespmem:s26], [sflag:$0x5], $0x9C8, $0x38;
	[tilespmem:$0x1CBF8] =	vst v63  }
0x9c: {  	s0 =	rddreg [dreg:$0x17]  }
0x9d: {  	[spmem:s0] =	stream.linear.scatter [tilespmem:s26], [sflag:$0x5], $0x9C8, $0x38;
	[tilespmem:$0x1CBF8] =	vst v63  }
0x9e: {  	s28 =	rddreg [dreg:$0x18]  }
0x9f: {  	[spmem:s28] =	stream.linear.scatter [tilespmem:s26], [sflag:$0x5], $0x9C8, $0x38;
	[tilespmem:$0x1CBF8] =	vst v63  }
0xa0: {  	s29 =	rddreg [dreg:$0x19]  }
0xa1: {  	[spmem:s29] =	stream.linear.scatter [tilespmem:s26], [sflag:$0x5], $0x9C8, $0x38;
	[tilespmem:$0x1CBF8] =	vst v63  }
0xa2: {  	_ =	swait.ge [sflag:s16], $0x9C8  }
0xa3: {  	[sflag:s16] =	ssyncset.done $0x0  }
0xa4: {  	[sflag:s16] =	ssyncadd.s32 $0xFFFFF638  }
0xa5: {  	_ =	swait.ge [sflag:s16], $0x9C8  }
0xa6: {  	[sflag:s16] =	ssyncset.done $0x0  }
0xa7: {  	[sflag:s16] =	ssyncadd.s32 $0xFFFFF638  }
0xa8: {  	_ =	swait.ge [sflag:s16], $0x9C8  }
0xa9: {  	[sflag:s16] =	ssyncset.done $0x0  }
0xaa: {  	[sflag:s16] =	ssyncadd.s32 $0xFFFFF638  }
0xab: {  	_ =	swait.ge [sflag:s16], $0x9C8  }
0xac: {  	[sflag:s16] =	ssyncset.done $0x0  }
0xad: {  	p2 =	por $0x1, $0x1;
	[sflag:s16] =	ssyncadd.s32 $0xFFFFF638  }
.LBB2_8:
0xae: {  	_ =	swait.ge [sflag:s17], $0x80  }
0xaf: {  	[sflag:s17] =	ssyncset.done $0x0  }
0xb0: {  	[sflag:s17] =	ssyncadd.s32 $0xFFFFFF80  }
0xb1: {  	_ =	swait.ge [sflag:s17], $0x80  }
0xb2: {  	[sflag:s17] =	ssyncset.done $0x0  }
0xb3: {  	[sflag:s17] =	ssyncadd.s32 $0xFFFFFF80  }
0xb4: {  	[tilespmem:s19], [sflag:$0x3] =	stream.indirect.gather [hbm4b:s1+s18], $0x80, s6, s18, $0xb8;
	[tilespmem:$0x1CBF8] =	vst v63  }
0xb5: {  	_ =	swait.ge [sflag:s16], $0x3400  }
0xb6: {  	[sflag:s16] =	ssyncset.done $0x0  }
0xb7: {  	[sflag:s16] =	ssyncadd.s32 $0xFFFFCC00  }
0xb8: {  	_ =	swait.ge [sflag:s16], $0x3400  }
0xb9: {  	[sflag:s16] =	ssyncset.done $0x0  }
0xba: {  	[sflag:s16] =	ssyncadd.s32 $0xFFFFCC00  }
0xbb: {  	_ =	swait.ge [sflag:s16], $0x3400  }
0xbc: {  	[sflag:s16] =	ssyncset.done $0x0  }
0xbd: {  	[sflag:s16] =	ssyncadd.s32 $0xFFFFCC00  }
0xbe: {  	_ =	swait.ge [sflag:s16], $0x3400  }
0xbf: {  	[sflag:s16] =	ssyncset.done $0x0  }
0xc0: {  	[sflag:s16] =	ssyncadd.s32 $0xFFFFCC00  }
0xc1: {  	_ =	swait.ge [sflag:s16], $0x3400  }
0xc2: {  	[sflag:s16] =	ssyncset.done $0x0  }
0xc3: {  	[sflag:s16] =	ssyncadd.s32 $0xFFFFCC00  }
0xc4: {  	_ =	swait.ge [sflag:s16], $0x3400  }
0xc5: {  	[sflag:s16] =	ssyncset.done $0x0  }
0xc6: {  	s26 =	simm.s32 @!p1 $0x5;
	[sflag:s16] =	ssyncadd.s32 $0xFFFFCC00  }
0xc7: {  	_ =	swait.ge @!p1 [sflag:s26], $0x1000  }
0xc8: {  	[sflag:s26] =	ssyncset.done @!p1 $0x0  }
0xc9: {  	[sflag:s26] =	ssyncadd.s32 @!p1 $0xFFFFF000  }
0xca: {  	s26 =	simm.s32 $0x180;
	[bflag:$0x0] =	sbarrier.arrive $0xFFFF  }
.LBB2_9:
0xcb: {  	_ =	swait.ge [sflag:s20], $0x80  }
0xcc: {  	[sflag:s20] =	ssyncset.done $0x0  }
0xcd: {  	[sflag:s20] =	ssyncadd.s32 $0xFFFFFF80  }
0xce: {  	_ =	swait.ge [sflag:s20], $0x80  }
0xcf: {  	[sflag:s20] =	ssyncset.done $0x0  }
0xd0: {  	[sflag:s20] =	ssyncadd.s32 $0xFFFFFF80  }
0xd1: {  	[tilespmem:s21], [sflag:$0x4] =	stream.indirect.gather [hbm4b:s1+s18], $0x80, s11, s18, $0xb8;
	[tilespmem:$0x1CBF8] =	vst v63  }
0xd2: {  	_ =	swait.ge [sflag:s22], $0x2800  }
0xd3: {  	[sflag:s22] =	ssyncset.done $0x0  }
0xd4: {  	[sflag:s22] =	ssyncadd.s32 $0xFFFFD800  }
0xd5: {  	[spmem:s3] =	stream.indirect.scatter.add.f32 [tilespmem:s19], [sflag:$0x6], $0x80, s10, s18, $0xb8;
	[tilespmem:$0x1CBF8] =	vst v63  }
0xd6: {  	s28 =	sadd.s32 $0xFFFFFF80, s26;
	_ =	swait.ge [sflag:s9], $0x2800  }
0xd7: {  	s0 =	sand.u32 $0x7C00, s28;
	[sflag:s9] =	ssyncset.done $0x0  }
0xd8: {  	s28 =	sand.u32 $0x300, s28;
	s29 =	sadd.s32 s7, s0;
	[sflag:s9] =	ssyncadd.s32 $0xFFFFD800  }
0xd9: {  	[spmem:s4] =	stream.indirect.scatter.add.f32 [tilespmem:s23], [sflag:$0x6], $0x1, s10, s18, $0xb8;
	[tilespmem:$0x1CBF8] =	vst v63  }
0xda: {  	s0 =	sadd.s32 s8, s0;
	s29 =	sor.u32 s28, s29;
	_ =	swait.ge [sflag:s9], $0x50  }
0xdb: {  	s0 =	sor.u32 s28, s0;
	s29 =	sshrl.u32 s29, $0x3;
	[sflag:s9] =	ssyncset.done $0x0  }
0xdc: {  	s0 =	sshrl.u32 s0, $0x3;
	s29 =	sadd.s32 s2, s29;
	[sflag:s9] =	ssyncadd.s32 $0xFFFFFFB0  }
0xdd: {  	[tilespmem:s6], [sflag:$0x1] =	stream.linear.gather [hbm4b:s29+s5], $0x80, $0x38;
	[tilespmem:$0x1CBF8] =	vst v63  }
0xde: {  	s0 =	sadd.s32 s2, s0  }
0xdf: {  	[tilespmem:s10], [sflag:$0x1] =	stream.linear.gather [hbm4b:s0+s5], $0x80, $0x38;
	[tilespmem:$0x1CBF8] =	vst v63  }
0xe0: {  	_ =	swait.ge [sflag:s17], $0x80  }
0xe1: {  	[sflag:s17] =	ssyncset.done $0x0  }
0xe2: {  	[sflag:s17] =	ssyncadd.s32 $0xFFFFFF80  }
0xe3: {  	_ =	swait.ge [sflag:s17], $0x80  }
0xe4: {  	[sflag:s17] =	ssyncset.done $0x0  }
0xe5: {  	[sflag:s17] =	ssyncadd.s32 $0xFFFFFF80  }
0xe6: {  	[tilespmem:s19], [sflag:$0x3] =	stream.indirect.gather [hbm4b:s1+s18], $0x80, s6, s18, $0xb8;
	[tilespmem:$0x1CBF8] =	vst v63  }
0xe7: {  	_ =	swait.ge [sflag:s24], $0x2800  }
0xe8: {  	[sflag:s24] =	ssyncset.done $0x0  }
0xe9: {  	[sflag:s24] =	ssyncadd.s32 $0xFFFFD800  }
0xea: {  	[spmem:s3] =	stream.indirect.scatter.add.f32 [tilespmem:s21], [sflag:$0x6], $0x80, s12, s18, $0xb8;
	[tilespmem:$0x1CBF8] =	vst v63  }
0xeb: {  	_ =	swait.ge [sflag:s9], $0x2800  }
0xec: {  	p3 =	seq.s32 s26, $0x3E80;
	[sflag:s9] =	ssyncset.done $0x0  }
.Ltmp6:
0xed: {  	[sflag:s9] =	ssyncadd.s32 $0xFFFFD800;
	(pc) =	sbr.rel @p3 .LBB2_11-.Ltmp6, $4  }
0xee: {  	[spmem:s4] =	stream.indirect.scatter.add.f32 [tilespmem:s23], [sflag:$0x6], $0x1, s12, s18, $0xb8;
	[tilespmem:$0x1CBF8] =	vst v63  }
0xef: {  	_ =	swait.ge [sflag:s9], $0x50  }
0xf0: {  	[sflag:s9] =	ssyncset.done $0x0  }
0xf1: {  	[sflag:s9] =	ssyncadd.s32 $0xFFFFFFB0  }
0xf2: {  	s0 =	sand.u32 $0x7C00, s26  }
0xf3: {  	s29 =	sand.u32 $0x380, s26;
	s28 =	sadd.s32 s7, s0  }
0xf4: {  	s0 =	sadd.s32 s8, s0;
	s28 =	sor.u32 s29, s28  }
.Ltmp7:
0xf5: {  	s0 =	sor.u32 s29, s0;
	s28 =	sshrl.u32 s28, $0x3;
	(pc) =	sbr.rel .LBB2_9-.Ltmp7, $4  }
0xf6: {  	s0 =	sshrl.u32 s0, $0x3;
	s28 =	sadd.s32 s2, s28  }
0xf7: {  	[tilespmem:s11], [sflag:$0x2] =	stream.linear.gather [hbm4b:s28+s5], $0x80, $0x38;
	[tilespmem:$0x1CBF8] =	vst v63  }
0xf8: {  	s26 =	sadd.s32 $0x100, s26;
	s0 =	sadd.s32 s2, s0  }
0xf9: {  	[tilespmem:s12], [sflag:$0x2] =	stream.linear.gather [hbm4b:s0+s5], $0x80, $0x38;
	[tilespmem:$0x1CBF8] =	vst v63  }
.LBB2_12:
0xfa: {  	_ =	sfence.sel $0x180000  }
0xfb: {  	[bflag:$0x0] =	sbarrier.arrive $0xFFFF  }
0xfc: {  	_ =	strace $0x90000047  }
0xfd: {  	s0 =	stileid.u32;
	[bflag:$0x2] =	sbarrier.arrive $0xFFFF  }
0xfe: {  	p0 =	sne.s32 s0, $0x0;
	s0 =	rddreg [dreg:$0x5]  }
0xff: {  	s0 =	sadd.s32 @!p0 $0x100000, s0  }
0x100: {  	[sflag:s0] =	ssyncadd.tile.s32 @!p0 $0x1;
	_ =	shalt  }
.Lfunc_end2:
_tile_overlayer_lowered:
.L_overlay_start_2:
0x101: {  	(tag) =	ssettag $0x2  }
0x102: {  	s0 =	rddreg [dreg:$0x0];
	s2 =	stileid.u32  }
0x103: {  	s1 =	rddreg [dreg:$0x1];
	p0 =	sne.s32 s2, $0x0  }
0x104: {  	s3 =	rddreg [dreg:$0x2];
	[bflag:$0x3] =	sbarrier.arrive $0xFFFF;
	s2 =	simm.s32 @!p0 $0x1C06  }
0x105: {  	[timem:s3], [sflag:s2] =	dma.local @!p0 [hbm:s0], s1  }
0x106: {  	s0 =	simm.s32 @!p0 $0x6  }
0x107: {  	_ =	swait.ge @!p0 [sflag:s0], s1  }
0x108: {  	s1 =	ssub.s32 @!p0 $0x0, s1;
	[sflag:s0] =	ssyncset.done @!p0 $0x0  }
0x109: {  	[sflag:s0] =	ssyncadd.s32 @!p0 s1  }
0x10a: {  	[bflag:$0x3] =	sbarrier.arrive $0xFFFF  }
0x10b: {  	_ =	shalt  }

</sc_bundles>
